<compile_context>
chip_gen: v7x
topology: tpu7x:2x2x1
jax: 0.10.2.dev20260603
libtpu: 0.0.44.dev20260713+nightly
codegen_flags: <defaults>
</compile_context>

<pallas_src>
import functools
import math

import jax
import jax.numpy as jnp
import numpy as np
from jax import lax
from jax.experimental import pallas as pl
from jax.experimental.pallas import tpu as pltpu
from jax.experimental.pallas import tpu_sc as plsc

B, N, D, C = 16, 4096, 64, 64
W = 272
CH = 128
HALF = N // 2
LN2 = math.log(2.0)
LOG2PI = math.log(2.0 * math.pi)

_i = np.arange(2048, dtype=np.float64)
_T0_np = np.log(1.0 + (_i + 0.5) / 2048.0)


def _ln(x, t0v):
    bits = lax.bitcast_convert_type(x, jnp.int32)
    ef = ((bits >> 23) - 127).astype(jnp.float32)
    ti = (bits >> 12) & 2047
    l0 = plsc.load_gather(t0v, [ti])
    return ef * LN2 + l0


def _body(mean_hbm, prec_hbm, tgt_hbm, t0_hbm,
          out_mean, out_prec, out_ln,
          mbuf, pbuf, tbuf, sem, accv, prtv, t0v, om_st, op_st, ln_st, shared):
    c_ax = lax.axis_index("c")
    s_ax = lax.axis_index("s")
    b = c_ax * 8 + s_ax // 2
    half = s_ax % 2

    pltpu.sync_copy(t0_hbm, t0v)

    zv = jnp.zeros((16,), jnp.float32)

    def zbody(k, carry):
        accv[pl.ds(k * 16, 16)] = zv
        return carry

    lax.fori_loop(0, (C * W) // 16, zbody, 0)

    iota = lax.iota(jnp.int32, 16)
    one0 = (iota == 0).astype(jnp.float32)

    def issue(ci, slot):
        start = half * HALF + ci * CH
        pltpu.async_copy(mean_hbm.at[b, pl.ds(start, CH)],
                         mbuf.at[pl.ds(slot * CH, CH)], sem.at[slot])
        pltpu.async_copy(prec_hbm.at[b, pl.ds(start, CH)],
                         pbuf.at[pl.ds(slot * CH, CH)], sem.at[slot])
        pltpu.async_copy(tgt_hbm.at[b, pl.ds(start, CH)],
                         tbuf.at[pl.ds(slot * CH, CH)], sem.at[slot])

    def drain(slot):
        pltpu.make_async_copy(mean_hbm.at[0, pl.ds(0, CH)],
                              mbuf.at[pl.ds(slot * CH, CH)], sem.at[slot]).wait()
        pltpu.make_async_copy(prec_hbm.at[0, pl.ds(0, CH)],
                              pbuf.at[pl.ds(slot * CH, CH)], sem.at[slot]).wait()
        pltpu.make_async_copy(tgt_hbm.at[0, pl.ds(0, CH)],
                              tbuf.at[pl.ds(slot * CH, CH)], sem.at[slot]).wait()

    issue(0, 0)

    def chunk_body(ci, carry):
        slot = ci % 2

        @pl.when(ci < HALF // CH - 1)
        def _():
            issue(ci + 1, 1 - slot)

        drain(slot)
        sbase = slot * CH

        @plsc.parallel_loop(0, CH, step=1, unroll=16)
        def ex_body(ex):
            row = sbase + ex
            tb = plsc.load_gather(tbuf, [jnp.full((16,), row, jnp.int32)])
            tbW = tb * W
            for j in range(4):
                mj = mbuf[row, pl.ds(j * 16, 16)]
                pj = pbuf[row, pl.ds(j * 16, 16)]
                pmj = pj * mj
                sqj = pmj * mj
                lnj = _ln(pj, t0v)
                cb = iota + (j * 16)
                plsc.addupdate_scatter(accv, [tbW + cb], pj)
                plsc.addupdate_scatter(accv, [tbW + (cb + 64)], pmj)
                plsc.addupdate_scatter(accv, [tbW + (cb + 128)], sqj)
                plsc.addupdate_scatter(accv, [tbW + (cb + 192)], lnj)
            plsc.addupdate_scatter(accv, [tbW + (iota + 256)], one0)

        return carry

    lax.fori_loop(0, HALF // CH, chunk_body, 0)

    @pl.when(half == 1)
    def _():
        pltpu.sync_copy(accv, shared.at[s_ax // 2])

    plsc.subcore_barrier()

    @pl.when(half == 0)
    def _():
        pltpu.sync_copy(shared.at[s_ax // 2], prtv)

        def cls_body(c, ln_acc):
            row = c * W

            def ld(off):
                return (accv[pl.ds(row + off, 16)]
                        + prtv[pl.ds(row + off, 16)])

            cnt = ld(256)
            ns = jnp.maximum(cnt, 1.0)
            tot = (1.0 - ns) * (0.5 * LOG2PI * D)
            for j in range(4):
                ps = ld(j * 16)
                pms = ld(64 + j * 16)
                sq = ld(128 + j * 16)
                lp = ld(192 + j * 16)
                mean = pms / ps
                expo = 0.5 * (ps * mean * mean - sq)
                lps = _ln(ps, t0v)
                tot = tot + (0.5 * (lp - lps) + expo)
                om_st[c, pl.ds(j * 16, 16)] = mean
                op_st[c, pl.ds(j * 16, 16)] = ps
            ssum = jnp.sum(tot)
            ln_acc = jnp.where(iota == (c % 16), ssum, ln_acc)
            ln_st[pl.ds((c // 16) * 16, 16)] = ln_acc
            return ln_acc

        lax.fori_loop(0, C, cls_body, jnp.zeros((16,), jnp.float32))

        pltpu.sync_copy(om_st, out_mean.at[b])
        pltpu.sync_copy(op_st, out_prec.at[b])
        pltpu.sync_copy(ln_st, out_ln.at[b])


_sc_call = pl.kernel(
    _body,
    out_type=(
        jax.ShapeDtypeStruct((B, C, D), jnp.float32),
        jax.ShapeDtypeStruct((B, C, D), jnp.float32),
        jax.ShapeDtypeStruct((B, C), jnp.float32),
    ),
    mesh=plsc.VectorSubcoreMesh(core_axis_name="c", subcore_axis_name="s"),
    compiler_params=pltpu.CompilerParams(needs_layout_passes=False),
    scratch_types=[
        pltpu.VMEM((2 * CH, D), jnp.float32),
        pltpu.VMEM((2 * CH, D), jnp.float32),
        pltpu.VMEM((2 * CH,), jnp.int32),
        pltpu.SemaphoreType.DMA((2,)),
        pltpu.VMEM((C * W,), jnp.float32),
        pltpu.VMEM((C * W,), jnp.float32),
        pltpu.VMEM((2048,), jnp.float32),
        pltpu.VMEM((C, D), jnp.float32),
        pltpu.VMEM((C, D), jnp.float32),
        pltpu.VMEM((C,), jnp.float32),
        pltpu.VMEM_SHARED((8, C * W), jnp.float32),
    ],
)


@jax.jit
def kernel(means, precisions, targets):
    t0 = jnp.asarray(_T0_np, dtype=jnp.float32)
    return _sc_call(means, precisions, targets, t0)

# --- scband reference (transcript-rebuilt; emitter-appended) ---
"""Pipeline reference for scband-unsupervised-generative-contrastive-modelling-37331855737078 (READ-ONLY COPY).

The authoritative reference and input builder live on the scoring server;
editing this copy changes nothing except your own understanding.
"""

import math
import jax, jax.numpy as jnp
import numpy as np

B, N, D, C = 16, 4096, 64, 64  # batch, num_examples, embedding_size (z_dim), num_classes


def setup_inputs(seed: int = 0) -> dict:
    key = jax.random.key(seed)
    k1, k2, k3 = jax.random.split(key, 3)
    means = jax.random.normal(k1, (B, N, D), dtype=jnp.float32)
    # precisions must be strictly positive (log / reciprocal taken); rand fill in (0,1)
    precisions = jax.random.uniform(k2, (B, N, D), dtype=jnp.float32, minval=1e-3, maxval=1.0)
    targets = jax.random.randint(k3, (B, N), 0, C, dtype=jnp.int32)
    return {"means": means, "precisions": precisions, "targets": targets}


def reference(means, precisions, targets):
    # Faithful jax translation of inner_gaussian_product (the core segment-reduce op
    # of UnsupervisedGenerativeContrastiveModelling).
    Bv, Nv, Dv = means.shape
    num_classes = C  # static; torch computes len(unique(targets)) which equals C w.h.p.
    b_idx = jnp.arange(Bv)[:, None]  # (B,1) broadcast against targets (B,N)

    # get_num_samples: scatter_add of ones along class dim (no grad path: int targets)
    ones = jnp.ones((Bv, Nv), dtype=means.dtype)
    num_samples = jnp.zeros((Bv, num_classes), dtype=means.dtype).at[b_idx, targets].add(ones)
    num_samples = jnp.maximum(num_samples, jnp.ones_like(num_samples))[..., None]  # (B,C,1)

    # product_precision = sum of member precisions per class
    product_precision = jnp.zeros((Bv, num_classes, Dv), dtype=means.dtype).at[b_idx, targets].add(precisions)

    # product_mean = (1/prec_sum) * sum(prec * mean)
    pm_scatter = jnp.zeros((Bv, num_classes, Dv), dtype=means.dtype).at[b_idx, targets].add(precisions * means)
    product_mean = jnp.reciprocal(product_precision) * pm_scatter

    # normalisation exponent
    sq_scatter = jnp.zeros((Bv, num_classes, Dv), dtype=means.dtype).at[b_idx, targets].add(precisions * jnp.square(means))
    product_normalisation_exponent = 0.5 * (product_precision * jnp.square(product_mean) - sq_scatter)

    # log normalisation
    logp_scatter = jnp.zeros((Bv, num_classes, Dv), dtype=means.dtype).at[b_idx, targets].add(jnp.log(precisions))
    log_product_normalisation = (
        0.5 * (1 - num_samples) * math.log(2 * math.pi)
        + 0.5 * (logp_scatter - jnp.log(product_precision))
        + product_normalisation_exponent
    )
    log_product_normalisation = log_product_normalisation.sum(axis=-1)  # (B,C)

    return (product_mean, product_precision, log_product_normalisation)


if False:  # reference __main__ guard neutralized (emitter)
    out = reference(**setup_inputs())
    print([o.shape for o in out])

if __name__ == "__main__":
    import jax
    _d = setup_inputs()
    print(jax.jit(kernel)(*tuple(_d.values())))

</pallas_src>

<mosaic_0001>
#map = affine_map<(d0, d1) -> (0, 0, 0)>
#map1 = affine_map<(d0, d1) -> (0, 0)>
#map2 = affine_map<(d0, d1) -> (0)>
module attributes {stable_mosaic.version = 14 : i64} {
  func.func @_body(%arg0: i32, %arg1: i32, %arg2: memref<16x4096x64xf32, #tpu.memory_space<hbm>>, %arg3: memref<16x4096x64xf32, #tpu.memory_space<hbm>>, %arg4: memref<16x4096xi32, #tpu.memory_space<hbm>>, %arg5: memref<2048xf32, #tpu.memory_space<hbm>>, %arg6: memref<16x64x64xf32, #tpu.memory_space<hbm>>, %arg7: memref<16x64x64xf32, #tpu.memory_space<hbm>>, %arg8: memref<16x64xf32, #tpu.memory_space<hbm>>, %arg9: memref<256x64xf32, #tpu.memory_space<vmem>>, %arg10: memref<256x64xf32, #tpu.memory_space<vmem>>, %arg11: memref<256xi32, #tpu.memory_space<vmem>>, %arg12: memref<2x!tpu.dma_semaphore, #tpu.memory_space<semaphore_mem>>, %arg13: memref<17408xf32, #tpu.memory_space<vmem>>, %arg14: memref<17408xf32, #tpu.memory_space<vmem>>, %arg15: memref<2048xf32, #tpu.memory_space<vmem>>, %arg16: memref<64x64xf32, #tpu.memory_space<vmem>>, %arg17: memref<64x64xf32, #tpu.memory_space<vmem>>, %arg18: memref<64xf32, #tpu.memory_space<vmem>>, %arg19: memref<8x17408xf32, #tpu.memory_space<vmem_shared>>) attributes {dimension_semantics = [#tpu.dimension_semantics<core_parallel>, #tpu.dimension_semantics<subcore_parallel>], iteration_bounds = array<i64: 2, 16>, scalar_prefetch = 0 : i64, scratch_operands = 11 : i64, tpu.core_type = #tpu.core_type<sc_vector_subcore>, window_params = [{transform_indices = #map}, {transform_indices = #map}, {transform_indices = #map1}, {transform_indices = #map2}, {transform_indices = #map}, {transform_indices = #map}, {transform_indices = #map1}]} {
    %mul3A = arith.constant 8 : i32
    %mul3A_0 = arith.muli %arg0, %mul3A : i32
    %jit3A = arith.constant 2 : i32
    %div3A = arith.divsi %arg1, %jit3A : i32
    %sign3A = arith.constant 0 : i32
    %sign3A_1 = arith.cmpi sgt, %arg1, %sign3A : i32
    %sign3A_2 = arith.extui %sign3A_1 : i1 to i32
    %sign3A_3 = arith.constant 0 : i32
    %sign3A_4 = arith.cmpi slt, %arg1, %sign3A_3 : i32
    %sign3A_5 = arith.extui %sign3A_4 : i1 to i32
    %sign3A_6 = arith.subi %sign3A_2, %sign3A_5 : i32
    %sign3A_7 = arith.constant 0 : i32
    %sign3A_8 = arith.cmpi sgt, %jit3A, %sign3A_7 : i32
    %sign3A_9 = arith.extui %sign3A_8 : i1 to i32
    %sign3A_10 = arith.constant 0 : i32
    %sign3A_11 = arith.cmpi slt, %jit3A, %sign3A_10 : i32
    %sign3A_12 = arith.extui %sign3A_11 : i1 to i32
    %sign3A_13 = arith.subi %sign3A_9, %sign3A_12 : i32
    %ne3A = arith.cmpi ne, %sign3A_6, %sign3A_13 : i32
    %rem3A = arith.remsi %arg1, %jit3A : i32
    %ne3A_14 = arith.constant 0 : i32
    %ne3A_15 = arith.cmpi ne, %rem3A, %ne3A_14 : i32
    %and3A = arith.andi %ne3A, %ne3A_15 : i1
    %sub3A = arith.constant 1 : i32
    %sub3A_16 = arith.subi %div3A, %sub3A : i32
    %select_n3A = arith.select %and3A, %sub3A_16, %div3A : i32
    %add3A = arith.addi %mul3A_0, %select_n3A : i32
    %jit3A_17 = arith.constant 2 : i32
    %eq3A = arith.constant 0 : i32
    %eq3A_18 = arith.cmpi eq, %jit3A_17, %eq3A : i32
    %jit3A_19 = arith.constant 1 : i32
    %select_n3A_20 = arith.select %eq3A_18, %jit3A_19, %jit3A_17 : i32
    %rem3A_21 = arith.remsi %arg1, %select_n3A_20 : i32
    %ne3A_22 = arith.constant 0 : i32
    %ne3A_23 = arith.cmpi ne, %rem3A_21, %ne3A_22 : i32
    %lt3A = arith.constant 0 : i32
    %lt3A_24 = arith.cmpi slt, %rem3A_21, %lt3A : i32
    %lt3A_25 = arith.constant 0 : i32
    %lt3A_26 = arith.cmpi slt, %select_n3A_20, %lt3A_25 : i32
    %ne3A_27 = arith.xori %lt3A_24, %lt3A_26 : i1
    %and3A_28 = arith.andi %ne3A_27, %ne3A_23 : i1
    %add3A_29 = arith.addi %rem3A_21, %select_n3A_20 : i32
    %select_n3A_30 = arith.select %and3A_28, %add3A_29, %rem3A_21 : i32
    "tpu.region"() ({
      %run_scoped3A = tpu.sem_alloc : memref<!tpu.dma_semaphore, #tpu.memory_space<semaphore_mem>>
      tpu.enqueue_dma source(%arg5 : memref<2048xf32, #tpu.memory_space<hbm>>) target(%arg15 : memref<2048xf32, #tpu.memory_space<vmem>>) target_semaphore(%run_scoped3A : memref<!tpu.dma_semaphore, #tpu.memory_space<semaphore_mem>>)
      tpu.wait_dma2 semaphore(%run_scoped3A : memref<!tpu.dma_semaphore, #tpu.memory_space<semaphore_mem>>) src(%arg5 : memref<2048xf32, #tpu.memory_space<hbm>>) dst(%arg15 : memref<2048xf32, #tpu.memory_space<vmem>>)
      tpu.yield
    }) : () -> ()
    %broadcast_in_dim3A = arith.constant 0.000000e+00 : f32
    %broadcast_in_dim3A_31 = vector.broadcast %broadcast_in_dim3A : f32 to vector<16xf32>
    %scan3A = arith.constant 0 : i32
    %scan3A_32 = arith.constant 0 : i32
    %scan3A_33 = arith.constant 1088 : i32
    %scan3A_34 = arith.addi %scan3A_32, %scan3A_33 : i32
    %scan3A_35 = arith.constant 1 : i32
    scf.for %scan3A_100 = %scan3A_32 to %scan3A_34 step %scan3A_35  : i32 {
      %mul3A_101 = arith.constant 16 : i32
      %mul3A_102 = arith.muli %scan3A_100, %mul3A_101 : i32
      %swap3A = arith.index_cast %mul3A_102 : i32 to index
      %swap3A_103 = tpu.vector_load %arg13[%swap3A] {strides = array<i32>} : memref<17408xf32, #tpu.memory_space<vmem>>, vector<16xf32>,
      tpu.vector_store %arg13[%swap3A], %broadcast_in_dim3A_31 {strides = array<i32>} : memref<17408xf32, #tpu.memory_space<vmem>>, vector<16xf32>,
    }
    %scan3A_36 = arith.constant 1088 : i32
    %iota3A = tpu.iota {dimensions = array<i32: 0>} : vector<16xi32>
    %eq3A_37 = arith.constant 0 : i32
    %eq3A_38 = vector.broadcast %eq3A_37 : i32 to vector<16xi32>
    %eq3A_39 = arith.cmpi eq, %iota3A, %eq3A_38 : vector<16xi32>
    %convert_element_type3A = arith.extui %eq3A_39 : vector<16xi1> to vector<16xi32>
    %convert_element_type3A_40 = arith.sitofp %convert_element_type3A : vector<16xi32> to vector<16xf32>
    %mul3A_41 = arith.constant 2048 : i32
    %mul3A_42 = arith.muli %select_n3A_30, %mul3A_41 : i32
    %add3A_43 = arith.constant 0 : i32
    %add3A_44 = arith.addi %mul3A_42, %add3A_43 : i32
    %dma_start3A = arith.constant 0 : i32
    %dma_start3A_45 = arith.constant 0 : i32
    %dma_start3A_46 = arith.constant 0 : i32
    %dma_start3A_47 = tpu.memref_slice %arg9[%dma_start3A_45, %dma_start3A_46] : memref<256x64xf32, #tpu.memory_space<vmem>> -> memref<128x64xf32, #tpu.memory_space<vmem>>
    %dma_start3A_48 = arith.constant 0 : i32
    %dma_start3A_49 = tpu.memref_slice %arg2[%add3A, %add3A_44, %dma_start3A_48] : memref<16x4096x64xf32, #tpu.memory_space<hbm>> -> memref<1x128x64xf32, #tpu.memory_space<hbm>>
    %dma_start3A_50 = tpu.memref_squeeze %dma_start3A_49 : memref<1x128x64xf32, #tpu.memory_space<hbm>> -> memref<128x64xf32, #tpu.memory_space<hbm>>
    %dma_start3A_51 = tpu.memref_slice %arg12[%dma_start3A] : memref<2x!tpu.dma_semaphore, #tpu.memory_space<semaphore_mem>> -> memref<1x!tpu.dma_semaphore, #tpu.memory_space<semaphore_mem>>
    %dma_start3A_52 = tpu.memref_squeeze %dma_start3A_51 : memref<1x!tpu.dma_semaphore, #tpu.memory_space<semaphore_mem>> -> memref<!tpu.dma_semaphore, #tpu.memory_space<semaphore_mem>>
    %dma_start3A_53 = arith.constant 0 : i32
    %dma_start3A_54 = arith.constant 0 : i32
    %dma_start3A_55 = tpu.memref_slice %arg9[%dma_start3A_53, %dma_start3A_54] : memref<256x64xf32, #tpu.memory_space<vmem>> -> memref<128x64xf32, #tpu.memory_space<vmem>>
    %dma_start3A_56 = arith.constant 0 : i32
    %dma_start3A_57 = tpu.memref_slice %arg2[%add3A, %add3A_44, %dma_start3A_56] : memref<16x4096x64xf32, #tpu.memory_space<hbm>> -> memref<1x128x64xf32, #tpu.memory_space<hbm>>
    %dma_start3A_58 = tpu.memref_squeeze %dma_start3A_57 : memref<1x128x64xf32, #tpu.memory_space<hbm>> -> memref<128x64xf32, #tpu.memory_space<hbm>>
    tpu.enqueue_dma source(%dma_start3A_58 : memref<128x64xf32, #tpu.memory_space<hbm>>) target(%dma_start3A_55 : memref<128x64xf32, #tpu.memory_space<vmem>>) target_semaphore(%dma_start3A_52 : memref<!tpu.dma_semaphore, #tpu.memory_space<semaphore_mem>>)
    %dma_start3A_59 = arith.constant 0 : i32
    %dma_start3A_60 = arith.constant 0 : i32
    %dma_start3A_61 = arith.constant 0 : i32
    %dma_start3A_62 = tpu.memref_slice %arg10[%dma_start3A_60, %dma_start3A_61] : memref<256x64xf32, #tpu.memory_space<vmem>> -> memref<128x64xf32, #tpu.memory_space<vmem>>
    %dma_start3A_63 = arith.constant 0 : i32
    %dma_start3A_64 = tpu.memref_slice %arg3[%add3A, %add3A_44, %dma_start3A_63] : memref<16x4096x64xf32, #tpu.memory_space<hbm>> -> memref<1x128x64xf32, #tpu.memory_space<hbm>>
    %dma_start3A_65 = tpu.memref_squeeze %dma_start3A_64 : memref<1x128x64xf32, #tpu.memory_space<hbm>> -> memref<128x64xf32, #tpu.memory_space<hbm>>
    %dma_start3A_66 = tpu.memref_slice %arg12[%dma_start3A_59] : memref<2x!tpu.dma_semaphore, #tpu.memory_space<semaphore_mem>> -> memref<1x!tpu.dma_semaphore, #tpu.memory_space<semaphore_mem>>
    %dma_start3A_67 = tpu.memref_squeeze %dma_start3A_66 : memref<1x!tpu.dma_semaphore, #tpu.memory_space<semaphore_mem>> -> memref<!tpu.dma_semaphore, #tpu.memory_space<semaphore_mem>>
    %dma_start3A_68 = arith.constant 0 : i32
    %dma_start3A_69 = arith.constant 0 : i32
    %dma_start3A_70 = tpu.memref_slice %arg10[%dma_start3A_68, %dma_start3A_69] : memref<256x64xf32, #tpu.memory_space<vmem>> -> memref<128x64xf32, #tpu.memory_space<vmem>>
    %dma_start3A_71 = arith.constant 0 : i32
    %dma_start3A_72 = tpu.memref_slice %arg3[%add3A, %add3A_44, %dma_start3A_71] : memref<16x4096x64xf32, #tpu.memory_space<hbm>> -> memref<1x128x64xf32, #tpu.memory_space<hbm>>
    %dma_start3A_73 = tpu.memref_squeeze %dma_start3A_72 : memref<1x128x64xf32, #tpu.memory_space<hbm>> -> memref<128x64xf32, #tpu.memory_space<hbm>>
    tpu.enqueue_dma source(%dma_start3A_73 : memref<128x64xf32, #tpu.memory_space<hbm>>) target(%dma_start3A_70 : memref<128x64xf32, #tpu.memory_space<vmem>>) target_semaphore(%dma_start3A_67 : memref<!tpu.dma_semaphore, #tpu.memory_space<semaphore_mem>>)
    %dma_start3A_74 = arith.constant 0 : i32
    %dma_start3A_75 = arith.constant 0 : i32
    %dma_start3A_76 = tpu.memref_slice %arg11[%dma_start3A_75] : memref<256xi32, #tpu.memory_space<vmem>> -> memref<128xi32, #tpu.memory_space<vmem>>
    %dma_start3A_77 = tpu.memref_slice %arg4[%add3A, %add3A_44] : memref<16x4096xi32, #tpu.memory_space<hbm>> -> memref<1x128xi32, #tpu.memory_space<hbm>>
    %dma_start3A_78 = tpu.memref_squeeze %dma_start3A_77 : memref<1x128xi32, #tpu.memory_space<hbm>> -> memref<128xi32, #tpu.memory_space<hbm>>
    %dma_start3A_79 = tpu.memref_slice %arg12[%dma_start3A_74] : memref<2x!tpu.dma_semaphore, #tpu.memory_space<semaphore_mem>> -> memref<1x!tpu.dma_semaphore, #tpu.memory_space<semaphore_mem>>
    %dma_start3A_80 = tpu.memref_squeeze %dma_start3A_79 : memref<1x!tpu.dma_semaphore, #tpu.memory_space<semaphore_mem>> -> memref<!tpu.dma_semaphore, #tpu.memory_space<semaphore_mem>>
    %dma_start3A_81 = arith.constant 0 : i32
    %dma_start3A_82 = tpu.memref_slice %arg11[%dma_start3A_81] : memref<256xi32, #tpu.memory_space<vmem>> -> memref<128xi32, #tpu.memory_space<vmem>>
    %dma_start3A_83 = tpu.memref_slice %arg4[%add3A, %add3A_44] : memref<16x4096xi32, #tpu.memory_space<hbm>> -> memref<1x128xi32, #tpu.memory_space<hbm>>
    %dma_start3A_84 = tpu.memref_squeeze %dma_start3A_83 : memref<1x128xi32, #tpu.memory_space<hbm>> -> memref<128xi32, #tpu.memory_space<hbm>>
    tpu.enqueue_dma source(%dma_start3A_84 : memref<128xi32, #tpu.memory_space<hbm>>) target(%dma_start3A_82 : memref<128xi32, #tpu.memory_space<vmem>>) target_semaphore(%dma_start3A_80 : memref<!tpu.dma_semaphore, #tpu.memory_space<semaphore_mem>>)
    %scan3A_85 = arith.constant 0 : i32
    %scan3A_86 = arith.constant 0 : i32
    %scan3A_87 = arith.constant 16 : i32
    %scan3A_88 = arith.addi %scan3A_86, %scan3A_87 : i32
    %scan3A_89 = arith.constant 1 : i32
    scf.for %scan3A_100 = %scan3A_86 to %scan3A_88 step %scan3A_89  : i32 {
      %jit3A_101 = arith.constant 2 : i32
      %eq3A_102 = arith.constant 0 : i32
      %eq3A_103 = arith.cmpi eq, %jit3A_101, %eq3A_102 : i32
      %jit3A_104 = arith.constant 1 : i32
      %select_n3A_105 = arith.select %eq3A_103, %jit3A_104, %jit3A_101 : i32
      %rem3A_106 = arith.remsi %scan3A_100, %select_n3A_105 : i32
      %ne3A_107 = arith.constant 0 : i32
      %ne3A_108 = arith.cmpi ne, %rem3A_106, %ne3A_107 : i32
      %lt3A_109 = arith.constant 0 : i32
      %lt3A_110 = arith.cmpi slt, %rem3A_106, %lt3A_109 : i32
      %lt3A_111 = arith.constant 0 : i32
      %lt3A_112 = arith.cmpi slt, %select_n3A_105, %lt3A_111 : i32
      %ne3A_113 = arith.xori %lt3A_110, %lt3A_112 : i1
      %and3A_114 = arith.andi %ne3A_113, %ne3A_108 : i1
      %add3A_115 = arith.addi %rem3A_106, %select_n3A_105 : i32
      %select_n3A_116 = arith.select %and3A_114, %add3A_115, %rem3A_106 : i32
      %lt3A_117 = arith.constant 15 : i32
      %lt3A_118 = arith.cmpi slt, %scan3A_100, %lt3A_117 : i32
      %convert_element_type3A_119 = arith.extui %lt3A_118 : i1 to i32
      %cond3A_120 = arith.constant 0 : i32
      %cond3A_121 = arith.cmpi ne, %convert_element_type3A_119, %cond3A_120 : i32
      scf.if %cond3A_121 {
        %add3A_172 = arith.constant 1 : i32
        %add3A_173 = arith.addi %scan3A_100, %add3A_172 : i32
        %sub3A_174 = arith.constant 1 : i32
        %sub3A_175 = arith.subi %sub3A_174, %select_n3A_116 : i32
        %mul3A_176 = arith.constant 2048 : i32
        %mul3A_177 = arith.muli %select_n3A_30, %mul3A_176 : i32
        %mul3A_178 = arith.constant 128 : i32
        %mul3A_179 = arith.muli %add3A_173, %mul3A_178 : i32
        %add3A_180 = arith.addi %mul3A_177, %mul3A_179 : i32
        %mul3A_181 = arith.constant 128 : i32
        %mul3A_182 = arith.muli %sub3A_175, %mul3A_181 : i32
        %dma_start3A_183 = arith.constant 0 : i32
        %dma_start3A_184 = tpu.memref_slice %arg9[%mul3A_182, %dma_start3A_183] : memref<256x64xf32, #tpu.memory_space<vmem>> -> memref<128x64xf32, #tpu.memory_space<vmem>>
        %dma_start3A_185 = arith.constant 0 : i32
        %dma_start3A_186 = tpu.memref_slice %arg2[%add3A, %add3A_180, %dma_start3A_185] : memref<16x4096x64xf32, #tpu.memory_space<hbm>> -> memref<1x128x64xf32, #tpu.memory_space<hbm>>
        %dma_start3A_187 = tpu.memref_squeeze %dma_start3A_186 : memref<1x128x64xf32, #tpu.memory_space<hbm>> -> memref<128x64xf32, #tpu.memory_space<hbm>>
        %dma_start3A_188 = tpu.memref_slice %arg12[%sub3A_175] : memref<2x!tpu.dma_semaphore, #tpu.memory_space<semaphore_mem>> -> memref<1x!tpu.dma_semaphore, #tpu.memory_space<semaphore_mem>>
        %dma_start3A_189 = tpu.memref_squeeze %dma_start3A_188 : memref<1x!tpu.dma_semaphore, #tpu.memory_space<semaphore_mem>> -> memref<!tpu.dma_semaphore, #tpu.memory_space<semaphore_mem>>
        %dma_start3A_190 = arith.constant 0 : i32
        %dma_start3A_191 = tpu.memref_slice %arg9[%mul3A_182, %dma_start3A_190] : memref<256x64xf32, #tpu.memory_space<vmem>> -> memref<128x64xf32, #tpu.memory_space<vmem>>
        %dma_start3A_192 = arith.constant 0 : i32
        %dma_start3A_193 = tpu.memref_slice %arg2[%add3A, %add3A_180, %dma_start3A_192] : memref<16x4096x64xf32, #tpu.memory_space<hbm>> -> memref<1x128x64xf32, #tpu.memory_space<hbm>>
        %dma_start3A_194 = tpu.memref_squeeze %dma_start3A_193 : memref<1x128x64xf32, #tpu.memory_space<hbm>> -> memref<128x64xf32, #tpu.memory_space<hbm>>
        tpu.enqueue_dma source(%dma_start3A_194 : memref<128x64xf32, #tpu.memory_space<hbm>>) target(%dma_start3A_191 : memref<128x64xf32, #tpu.memory_space<vmem>>) target_semaphore(%dma_start3A_189 : memref<!tpu.dma_semaphore, #tpu.memory_space<semaphore_mem>>)
        %mul3A_195 = arith.constant 128 : i32
        %mul3A_196 = arith.muli %sub3A_175, %mul3A_195 : i32
        %dma_start3A_197 = arith.constant 0 : i32
        %dma_start3A_198 = tpu.memref_slice %arg10[%mul3A_196, %dma_start3A_197] : memref<256x64xf32, #tpu.memory_space<vmem>> -> memref<128x64xf32, #tpu.memory_space<vmem>>
        %dma_start3A_199 = arith.constant 0 : i32
        %dma_start3A_200 = tpu.memref_slice %arg3[%add3A, %add3A_180, %dma_start3A_199] : memref<16x4096x64xf32, #tpu.memory_space<hbm>> -> memref<1x128x64xf32, #tpu.memory_space<hbm>>
        %dma_start3A_201 = tpu.memref_squeeze %dma_start3A_200 : memref<1x128x64xf32, #tpu.memory_space<hbm>> -> memref<128x64xf32, #tpu.memory_space<hbm>>
        %dma_start3A_202 = tpu.memref_slice %arg12[%sub3A_175] : memref<2x!tpu.dma_semaphore, #tpu.memory_space<semaphore_mem>> -> memref<1x!tpu.dma_semaphore, #tpu.memory_space<semaphore_mem>>
        %dma_start3A_203 = tpu.memref_squeeze %dma_start3A_202 : memref<1x!tpu.dma_semaphore, #tpu.memory_space<semaphore_mem>> -> memref<!tpu.dma_semaphore, #tpu.memory_space<semaphore_mem>>
        %dma_start3A_204 = arith.constant 0 : i32
        %dma_start3A_205 = tpu.memref_slice %arg10[%mul3A_196, %dma_start3A_204] : memref<256x64xf32, #tpu.memory_space<vmem>> -> memref<128x64xf32, #tpu.memory_space<vmem>>
        %dma_start3A_206 = arith.constant 0 : i32
        %dma_start3A_207 = tpu.memref_slice %arg3[%add3A, %add3A_180, %dma_start3A_206] : memref<16x4096x64xf32, #tpu.memory_space<hbm>> -> memref<1x128x64xf32, #tpu.memory_space<hbm>>
        %dma_start3A_208 = tpu.memref_squeeze %dma_start3A_207 : memref<1x128x64xf32, #tpu.memory_space<hbm>> -> memref<128x64xf32, #tpu.memory_space<hbm>>
        tpu.enqueue_dma source(%dma_start3A_208 : memref<128x64xf32, #tpu.memory_space<hbm>>) target(%dma_start3A_205 : memref<128x64xf32, #tpu.memory_space<vmem>>) target_semaphore(%dma_start3A_203 : memref<!tpu.dma_semaphore, #tpu.memory_space<semaphore_mem>>)
        %mul3A_209 = arith.constant 128 : i32
        %mul3A_210 = arith.muli %sub3A_175, %mul3A_209 : i32
        %dma_start3A_211 = tpu.memref_slice %arg11[%mul3A_210] : memref<256xi32, #tpu.memory_space<vmem>> -> memref<128xi32, #tpu.memory_space<vmem>>
        %dma_start3A_212 = tpu.memref_slice %arg4[%add3A, %add3A_180] : memref<16x4096xi32, #tpu.memory_space<hbm>> -> memref<1x128xi32, #tpu.memory_space<hbm>>
        %dma_start3A_213 = tpu.memref_squeeze %dma_start3A_212 : memref<1x128xi32, #tpu.memory_space<hbm>> -> memref<128xi32, #tpu.memory_space<hbm>>
        %dma_start3A_214 = tpu.memref_slice %arg12[%sub3A_175] : memref<2x!tpu.dma_semaphore, #tpu.memory_space<semaphore_mem>> -> memref<1x!tpu.dma_semaphore, #tpu.memory_space<semaphore_mem>>
        %dma_start3A_215 = tpu.memref_squeeze %dma_start3A_214 : memref<1x!tpu.dma_semaphore, #tpu.memory_space<semaphore_mem>> -> memref<!tpu.dma_semaphore, #tpu.memory_space<semaphore_mem>>
        %dma_start3A_216 = tpu.memref_slice %arg11[%mul3A_210] : memref<256xi32, #tpu.memory_space<vmem>> -> memref<128xi32, #tpu.memory_space<vmem>>
        %dma_start3A_217 = tpu.memref_slice %arg4[%add3A, %add3A_180] : memref<16x4096xi32, #tpu.memory_space<hbm>> -> memref<1x128xi32, #tpu.memory_space<hbm>>
        %dma_start3A_218 = tpu.memref_squeeze %dma_start3A_217 : memref<1x128xi32, #tpu.memory_space<hbm>> -> memref<128xi32, #tpu.memory_space<hbm>>
        tpu.enqueue_dma source(%dma_start3A_218 : memref<128xi32, #tpu.memory_space<hbm>>) target(%dma_start3A_216 : memref<128xi32, #tpu.memory_space<vmem>>) target_semaphore(%dma_start3A_215 : memref<!tpu.dma_semaphore, #tpu.memory_space<semaphore_mem>>)
      } else {
      }
      %mul3A_122 = arith.constant 128 : i32
      %mul3A_123 = arith.muli %select_n3A_116, %mul3A_122 : i32
      %dma_wait3A = arith.constant 0 : i32
      %dma_wait3A_124 = arith.constant 0 : i32
      %dma_wait3A_125 = tpu.memref_slice %arg9[%mul3A_123, %dma_wait3A_124] : memref<256x64xf32, #tpu.memory_space<vmem>> -> memref<128x64xf32, #tpu.memory_space<vmem>>
      %dma_wait3A_126 = arith.constant 0 : i32
      %dma_wait3A_127 = arith.constant 0 : i32
      %dma_wait3A_128 = tpu.memref_slice %arg2[%dma_wait3A, %dma_wait3A_126, %dma_wait3A_127] : memref<16x4096x64xf32, #tpu.memory_space<hbm>> -> memref<1x128x64xf32, #tpu.memory_space<hbm>>
      %dma_wait3A_129 = tpu.memref_squeeze %dma_wait3A_128 : memref<1x128x64xf32, #tpu.memory_space<hbm>> -> memref<128x64xf32, #tpu.memory_space<hbm>>
      %dma_wait3A_130 = tpu.memref_slice %arg12[%select_n3A_116] : memref<2x!tpu.dma_semaphore, #tpu.memory_space<semaphore_mem>> -> memref<1x!tpu.dma_semaphore, #tpu.memory_space<semaphore_mem>>
      %dma_wait3A_131 = tpu.memref_squeeze %dma_wait3A_130 : memref<1x!tpu.dma_semaphore, #tpu.memory_space<semaphore_mem>> -> memref<!tpu.dma_semaphore, #tpu.memory_space<semaphore_mem>>
      %dma_wait3A_132 = arith.constant 0 : i32
      %dma_wait3A_133 = tpu.memref_slice %arg9[%mul3A_123, %dma_wait3A_132] : memref<256x64xf32, #tpu.memory_space<vmem>> -> memref<128x64xf32, #tpu.memory_space<vmem>>
      %dma_wait3A_134 = arith.constant 0 : i32
      %dma_wait3A_135 = arith.constant 0 : i32
      %dma_wait3A_136 = tpu.memref_slice %arg2[%dma_wait3A, %dma_wait3A_134, %dma_wait3A_135] : memref<16x4096x64xf32, #tpu.memory_space<hbm>> -> memref<1x128x64xf32, #tpu.memory_space<hbm>>
      %dma_wait3A_137 = tpu.memref_squeeze %dma_wait3A_136 : memref<1x128x64xf32, #tpu.memory_space<hbm>> -> memref<128x64xf32, #tpu.memory_space<hbm>>
      tpu.wait_dma2 semaphore(%dma_wait3A_131 : memref<!tpu.dma_semaphore, #tpu.memory_space<semaphore_mem>>) src(%dma_wait3A_137 : memref<128x64xf32, #tpu.memory_space<hbm>>) dst(%dma_wait3A_133 : memref<128x64xf32, #tpu.memory_space<vmem>>)
      %mul3A_138 = arith.constant 128 : i32
      %mul3A_139 = arith.muli %select_n3A_116, %mul3A_138 : i32
      %dma_wait3A_140 = arith.constant 0 : i32
      %dma_wait3A_141 = arith.constant 0 : i32
      %dma_wait3A_142 = tpu.memref_slice %arg10[%mul3A_139, %dma_wait3A_141] : memref<256x64xf32, #tpu.memory_space<vmem>> -> memref<128x64xf32, #tpu.memory_space<vmem>>
      %dma_wait3A_143 = arith.constant 0 : i32
      %dma_wait3A_144 = arith.constant 0 : i32
      %dma_wait3A_145 = tpu.memref_slice %arg3[%dma_wait3A_140, %dma_wait3A_143, %dma_wait3A_144] : memref<16x4096x64xf32, #tpu.memory_space<hbm>> -> memref<1x128x64xf32, #tpu.memory_space<hbm>>
      %dma_wait3A_146 = tpu.memref_squeeze %dma_wait3A_145 : memref<1x128x64xf32, #tpu.memory_space<hbm>> -> memref<128x64xf32, #tpu.memory_space<hbm>>
      %dma_wait3A_147 = tpu.memref_slice %arg12[%select_n3A_116] : memref<2x!tpu.dma_semaphore, #tpu.memory_space<semaphore_mem>> -> memref<1x!tpu.dma_semaphore, #tpu.memory_space<semaphore_mem>>
      %dma_wait3A_148 = tpu.memref_squeeze %dma_wait3A_147 : memref<1x!tpu.dma_semaphore, #tpu.memory_space<semaphore_mem>> -> memref<!tpu.dma_semaphore, #tpu.memory_space<semaphore_mem>>
      %dma_wait3A_149 = arith.constant 0 : i32
      %dma_wait3A_150 = tpu.memref_slice %arg10[%mul3A_139, %dma_wait3A_149] : memref<256x64xf32, #tpu.memory_space<vmem>> -> memref<128x64xf32, #tpu.memory_space<vmem>>
      %dma_wait3A_151 = arith.constant 0 : i32
      %dma_wait3A_152 = arith.constant 0 : i32
      %dma_wait3A_153 = tpu.memref_slice %arg3[%dma_wait3A_140, %dma_wait3A_151, %dma_wait3A_152] : memref<16x4096x64xf32, #tpu.memory_space<hbm>> -> memref<1x128x64xf32, #tpu.memory_space<hbm>>
      %dma_wait3A_154 = tpu.memref_squeeze %dma_wait3A_153 : memref<1x128x64xf32, #tpu.memory_space<hbm>> -> memref<128x64xf32, #tpu.memory_space<hbm>>
      tpu.wait_dma2 semaphore(%dma_wait3A_148 : memref<!tpu.dma_semaphore, #tpu.memory_space<semaphore_mem>>) src(%dma_wait3A_154 : memref<128x64xf32, #tpu.memory_space<hbm>>) dst(%dma_wait3A_150 : memref<128x64xf32, #tpu.memory_space<vmem>>)
      %mul3A_155 = arith.constant 128 : i32
      %mul3A_156 = arith.muli %select_n3A_116, %mul3A_155 : i32
      %dma_wait3A_157 = arith.constant 0 : i32
      %dma_wait3A_158 = tpu.memref_slice %arg11[%mul3A_156] : memref<256xi32, #tpu.memory_space<vmem>> -> memref<128xi32, #tpu.memory_space<vmem>>
      %dma_wait3A_159 = arith.constant 0 : i32
      %dma_wait3A_160 = tpu.memref_slice %arg4[%dma_wait3A_157, %dma_wait3A_159] : memref<16x4096xi32, #tpu.memory_space<hbm>> -> memref<1x128xi32, #tpu.memory_space<hbm>>
      %dma_wait3A_161 = tpu.memref_squeeze %dma_wait3A_160 : memref<1x128xi32, #tpu.memory_space<hbm>> -> memref<128xi32, #tpu.memory_space<hbm>>
      %dma_wait3A_162 = tpu.memref_slice %arg12[%select_n3A_116] : memref<2x!tpu.dma_semaphore, #tpu.memory_space<semaphore_mem>> -> memref<1x!tpu.dma_semaphore, #tpu.memory_space<semaphore_mem>>
      %dma_wait3A_163 = tpu.memref_squeeze %dma_wait3A_162 : memref<1x!tpu.dma_semaphore, #tpu.memory_space<semaphore_mem>> -> memref<!tpu.dma_semaphore, #tpu.memory_space<semaphore_mem>>
      %dma_wait3A_164 = tpu.memref_slice %arg11[%mul3A_156] : memref<256xi32, #tpu.memory_space<vmem>> -> memref<128xi32, #tpu.memory_space<vmem>>
      %dma_wait3A_165 = arith.constant 0 : i32
      %dma_wait3A_166 = tpu.memref_slice %arg4[%dma_wait3A_157, %dma_wait3A_165] : memref<16x4096xi32, #tpu.memory_space<hbm>> -> memref<1x128xi32, #tpu.memory_space<hbm>>
      %dma_wait3A_167 = tpu.memref_squeeze %dma_wait3A_166 : memref<1x128xi32, #tpu.memory_space<hbm>> -> memref<128xi32, #tpu.memory_space<hbm>>
      tpu.wait_dma2 semaphore(%dma_wait3A_163 : memref<!tpu.dma_semaphore, #tpu.memory_space<semaphore_mem>>) src(%dma_wait3A_167 : memref<128xi32, #tpu.memory_space<hbm>>) dst(%dma_wait3A_164 : memref<128xi32, #tpu.memory_space<vmem>>)
      %mul3A_168 = arith.constant 128 : i32
      %mul3A_169 = arith.muli %select_n3A_116, %mul3A_168 : i32
      %parallel_loop3A = arith.constant 0 : i32
      %parallel_loop3A_170 = arith.constant 128 : i32
      %parallel_loop3A_171 = arith.constant 1 : i32
      scf.for %parallel_loop3A_172 = %parallel_loop3A to %parallel_loop3A_170 step %parallel_loop3A_171  : i32 {
        %parallel_loop3A_173 = arith.addi %mul3A_169, %parallel_loop3A_172 : i32
        %parallel_loop3A_174 = vector.broadcast %parallel_loop3A_173 : i32 to vector<16xi32>
        %parallel_loop3A_175 = tpu.vector_load_idx %arg11[%parallel_loop3A_174] : memref<256xi32, #tpu.memory_space<vmem>>[vector<16xi32>], vector<16xi32>,
        %parallel_loop3A_176 = arith.constant 272 : i32
        %parallel_loop3A_177 = vector.broadcast %parallel_loop3A_176 : i32 to vector<16xi32>
        %parallel_loop3A_178 = arith.muli %parallel_loop3A_175, %parallel_loop3A_177 : vector<16xi32>
        %parallel_loop3A_179 = arith.index_cast %parallel_loop3A_173 : i32 to index
        %parallel_loop3A_180 = arith.constant 0 : index
        %parallel_loop3A_181 = tpu.vector_load %arg9[%parallel_loop3A_179, %parallel_loop3A_180] {strides = array<i32>} : memref<256x64xf32, #tpu.memory_space<vmem>>, vector<16xf32>,
        %parallel_loop3A_182 = arith.index_cast %parallel_loop3A_173 : i32 to index
        %parallel_loop3A_183 = arith.constant 0 : index
        %parallel_loop3A_184 = tpu.vector_load %arg10[%parallel_loop3A_182, %parallel_loop3A_183] {strides = array<i32>} : memref<256x64xf32, #tpu.memory_space<vmem>>, vector<16xf32>,
        %parallel_loop3A_185 = arith.mulf %parallel_loop3A_184, %parallel_loop3A_181 : vector<16xf32>
        %parallel_loop3A_186 = arith.mulf %parallel_loop3A_185, %parallel_loop3A_181 : vector<16xf32>
        %parallel_loop3A_187 = tpu.bitcast %parallel_loop3A_184 : vector<16xf32> -> vector<16xi32>
        %parallel_loop3A_188 = arith.constant 23 : i32
        %parallel_loop3A_189 = vector.broadcast %parallel_loop3A_188 : i32 to vector<16xi32>
        %parallel_loop3A_190 = arith.shrsi %parallel_loop3A_187, %parallel_loop3A_189 : vector<16xi32>
        %parallel_loop3A_191 = arith.constant 127 : i32
        %parallel_loop3A_192 = vector.broadcast %parallel_loop3A_191 : i32 to vector<16xi32>
        %parallel_loop3A_193 = arith.subi %parallel_loop3A_190, %parallel_loop3A_192 : vector<16xi32>
        %parallel_loop3A_194 = arith.sitofp %parallel_loop3A_193 : vector<16xi32> to vector<16xf32>
        %parallel_loop3A_195 = arith.constant 12 : i32
        %parallel_loop3A_196 = vector.broadcast %parallel_loop3A_195 : i32 to vector<16xi32>
        %parallel_loop3A_197 = arith.shrsi %parallel_loop3A_187, %parallel_loop3A_196 : vector<16xi32>
        %parallel_loop3A_198 = arith.constant 2047 : i32
        %parallel_loop3A_199 = vector.broadcast %parallel_loop3A_198 : i32 to vector<16xi32>
        %parallel_loop3A_200 = arith.andi %parallel_loop3A_197, %parallel_loop3A_199 : vector<16xi32>
        %parallel_loop3A_201 = tpu.vector_load_idx %arg15[%parallel_loop3A_200] : memref<2048xf32, #tpu.memory_space<vmem>>[vector<16xi32>], vector<16xf32>,
        %parallel_loop3A_202 = arith.constant 0.693147182 : f32
        %parallel_loop3A_203 = vector.broadcast %parallel_loop3A_202 : f32 to vector<16xf32>
        %parallel_loop3A_204 = arith.mulf %parallel_loop3A_194, %parallel_loop3A_203 : vector<16xf32>
        %parallel_loop3A_205 = arith.addf %parallel_loop3A_204, %parallel_loop3A_201 : vector<16xf32>
        %parallel_loop3A_206 = arith.constant 0 : i32
        %parallel_loop3A_207 = vector.broadcast %parallel_loop3A_206 : i32 to vector<16xi32>
        %parallel_loop3A_208 = arith.addi %iota3A, %parallel_loop3A_207 : vector<16xi32>
        %parallel_loop3A_209 = arith.addi %parallel_loop3A_178, %parallel_loop3A_208 : vector<16xi32>
        tpu.vector_store_idx %arg13[%parallel_loop3A_209], %parallel_loop3A_184 {add = true} : memref<17408xf32, #tpu.memory_space<vmem>>[vector<16xi32>], vector<16xf32>,
        %parallel_loop3A_210 = arith.constant 64 : i32
        %parallel_loop3A_211 = vector.broadcast %parallel_loop3A_210 : i32 to vector<16xi32>
        %parallel_loop3A_212 = arith.addi %parallel_loop3A_208, %parallel_loop3A_211 : vector<16xi32>
        %parallel_loop3A_213 = arith.addi %parallel_loop3A_178, %parallel_loop3A_212 : vector<16xi32>
        tpu.vector_store_idx %arg13[%parallel_loop3A_213], %parallel_loop3A_185 {add = true} : memref<17408xf32, #tpu.memory_space<vmem>>[vector<16xi32>], vector<16xf32>,
        %parallel_loop3A_214 = arith.constant 128 : i32
        %parallel_loop3A_215 = vector.broadcast %parallel_loop3A_214 : i32 to vector<16xi32>
        %parallel_loop3A_216 = arith.addi %parallel_loop3A_208, %parallel_loop3A_215 : vector<16xi32>
        %parallel_loop3A_217 = arith.addi %parallel_loop3A_178, %parallel_loop3A_216 : vector<16xi32>
        tpu.vector_store_idx %arg13[%parallel_loop3A_217], %parallel_loop3A_186 {add = true} : memref<17408xf32, #tpu.memory_space<vmem>>[vector<16xi32>], vector<16xf32>,
        %parallel_loop3A_218 = arith.constant 192 : i32
        %parallel_loop3A_219 = vector.broadcast %parallel_loop3A_218 : i32 to vector<16xi32>
        %parallel_loop3A_220 = arith.addi %parallel_loop3A_208, %parallel_loop3A_219 : vector<16xi32>
        %parallel_loop3A_221 = arith.addi %parallel_loop3A_178, %parallel_loop3A_220 : vector<16xi32>
        tpu.vector_store_idx %arg13[%parallel_loop3A_221], %parallel_loop3A_205 {add = true} : memref<17408xf32, #tpu.memory_space<vmem>>[vector<16xi32>], vector<16xf32>,
        %parallel_loop3A_222 = arith.index_cast %parallel_loop3A_173 : i32 to index
        %parallel_loop3A_223 = arith.constant 16 : index
        %parallel_loop3A_224 = tpu.vector_load %arg9[%parallel_loop3A_222, %parallel_loop3A_223] {strides = array<i32>} : memref<256x64xf32, #tpu.memory_space<vmem>>, vector<16xf32>,
        %parallel_loop3A_225 = arith.index_cast %parallel_loop3A_173 : i32 to index
        %parallel_loop3A_226 = arith.constant 16 : index
        %parallel_loop3A_227 = tpu.vector_load %arg10[%parallel_loop3A_225, %parallel_loop3A_226] {strides = array<i32>} : memref<256x64xf32, #tpu.memory_space<vmem>>, vector<16xf32>,
        %parallel_loop3A_228 = arith.mulf %parallel_loop3A_227, %parallel_loop3A_224 : vector<16xf32>
        %parallel_loop3A_229 = arith.mulf %parallel_loop3A_228, %parallel_loop3A_224 : vector<16xf32>
        %parallel_loop3A_230 = tpu.bitcast %parallel_loop3A_227 : vector<16xf32> -> vector<16xi32>
        %parallel_loop3A_231 = arith.constant 23 : i32
        %parallel_loop3A_232 = vector.broadcast %parallel_loop3A_231 : i32 to vector<16xi32>
        %parallel_loop3A_233 = arith.shrsi %parallel_loop3A_230, %parallel_loop3A_232 : vector<16xi32>
        %parallel_loop3A_234 = arith.constant 127 : i32
        %parallel_loop3A_235 = vector.broadcast %parallel_loop3A_234 : i32 to vector<16xi32>
        %parallel_loop3A_236 = arith.subi %parallel_loop3A_233, %parallel_loop3A_235 : vector<16xi32>
        %parallel_loop3A_237 = arith.sitofp %parallel_loop3A_236 : vector<16xi32> to vector<16xf32>
        %parallel_loop3A_238 = arith.constant 12 : i32
        %parallel_loop3A_239 = vector.broadcast %parallel_loop3A_238 : i32 to vector<16xi32>
        %parallel_loop3A_240 = arith.shrsi %parallel_loop3A_230, %parallel_loop3A_239 : vector<16xi32>
        %parallel_loop3A_241 = arith.constant 2047 : i32
        %parallel_loop3A_242 = vector.broadcast %parallel_loop3A_241 : i32 to vector<16xi32>
        %parallel_loop3A_243 = arith.andi %parallel_loop3A_240, %parallel_loop3A_242 : vector<16xi32>
        %parallel_loop3A_244 = tpu.vector_load_idx %arg15[%parallel_loop3A_243] : memref<2048xf32, #tpu.memory_space<vmem>>[vector<16xi32>], vector<16xf32>,
        %parallel_loop3A_245 = arith.constant 0.693147182 : f32
        %parallel_loop3A_246 = vector.broadcast %parallel_loop3A_245 : f32 to vector<16xf32>
        %parallel_loop3A_247 = arith.mulf %parallel_loop3A_237, %parallel_loop3A_246 : vector<16xf32>
        %parallel_loop3A_248 = arith.addf %parallel_loop3A_247, %parallel_loop3A_244 : vector<16xf32>
        %parallel_loop3A_249 = arith.constant 16 : i32
        %parallel_loop3A_250 = vector.broadcast %parallel_loop3A_249 : i32 to vector<16xi32>
        %parallel_loop3A_251 = arith.addi %iota3A, %parallel_loop3A_250 : vector<16xi32>
        %parallel_loop3A_252 = arith.addi %parallel_loop3A_178, %parallel_loop3A_251 : vector<16xi32>
        tpu.vector_store_idx %arg13[%parallel_loop3A_252], %parallel_loop3A_227 {add = true} : memref<17408xf32, #tpu.memory_space<vmem>>[vector<16xi32>], vector<16xf32>,
        %parallel_loop3A_253 = arith.constant 64 : i32
        %parallel_loop3A_254 = vector.broadcast %parallel_loop3A_253 : i32 to vector<16xi32>
        %parallel_loop3A_255 = arith.addi %parallel_loop3A_251, %parallel_loop3A_254 : vector<16xi32>
        %parallel_loop3A_256 = arith.addi %parallel_loop3A_178, %parallel_loop3A_255 : vector<16xi32>
        tpu.vector_store_idx %arg13[%parallel_loop3A_256], %parallel_loop3A_228 {add = true} : memref<17408xf32, #tpu.memory_space<vmem>>[vector<16xi32>], vector<16xf32>,
        %parallel_loop3A_257 = arith.constant 128 : i32
        %parallel_loop3A_258 = vector.broadcast %parallel_loop3A_257 : i32 to vector<16xi32>
        %parallel_loop3A_259 = arith.addi %parallel_loop3A_251, %parallel_loop3A_258 : vector<16xi32>
        %parallel_loop3A_260 = arith.addi %parallel_loop3A_178, %parallel_loop3A_259 : vector<16xi32>
        tpu.vector_store_idx %arg13[%parallel_loop3A_260], %parallel_loop3A_229 {add = true} : memref<17408xf32, #tpu.memory_space<vmem>>[vector<16xi32>], vector<16xf32>,
        %parallel_loop3A_261 = arith.constant 192 : i32
        %parallel_loop3A_262 = vector.broadcast %parallel_loop3A_261 : i32 to vector<16xi32>
        %parallel_loop3A_263 = arith.addi %parallel_loop3A_251, %parallel_loop3A_262 : vector<16xi32>
        %parallel_loop3A_264 = arith.addi %parallel_loop3A_178, %parallel_loop3A_263 : vector<16xi32>
        tpu.vector_store_idx %arg13[%parallel_loop3A_264], %parallel_loop3A_248 {add = true} : memref<17408xf32, #tpu.memory_space<vmem>>[vector<16xi32>], vector<16xf32>,
        %parallel_loop3A_265 = arith.index_cast %parallel_loop3A_173 : i32 to index
        %parallel_loop3A_266 = arith.constant 32 : index
        %parallel_loop3A_267 = tpu.vector_load %arg9[%parallel_loop3A_265, %parallel_loop3A_266] {strides = array<i32>} : memref<256x64xf32, #tpu.memory_space<vmem>>, vector<16xf32>,
        %parallel_loop3A_268 = arith.index_cast %parallel_loop3A_173 : i32 to index
        %parallel_loop3A_269 = arith.constant 32 : index
        %parallel_loop3A_270 = tpu.vector_load %arg10[%parallel_loop3A_268, %parallel_loop3A_269] {strides = array<i32>} : memref<256x64xf32, #tpu.memory_space<vmem>>, vector<16xf32>,
        %parallel_loop3A_271 = arith.mulf %parallel_loop3A_270, %parallel_loop3A_267 : vector<16xf32>
        %parallel_loop3A_272 = arith.mulf %parallel_loop3A_271, %parallel_loop3A_267 : vector<16xf32>
        %parallel_loop3A_273 = tpu.bitcast %parallel_loop3A_270 : vector<16xf32> -> vector<16xi32>
        %parallel_loop3A_274 = arith.constant 23 : i32
        %parallel_loop3A_275 = vector.broadcast %parallel_loop3A_274 : i32 to vector<16xi32>
        %parallel_loop3A_276 = arith.shrsi %parallel_loop3A_273, %parallel_loop3A_275 : vector<16xi32>
        %parallel_loop3A_277 = arith.constant 127 : i32
        %parallel_loop3A_278 = vector.broadcast %parallel_loop3A_277 : i32 to vector<16xi32>
        %parallel_loop3A_279 = arith.subi %parallel_loop3A_276, %parallel_loop3A_278 : vector<16xi32>
        %parallel_loop3A_280 = arith.sitofp %parallel_loop3A_279 : vector<16xi32> to vector<16xf32>
        %parallel_loop3A_281 = arith.constant 12 : i32
        %parallel_loop3A_282 = vector.broadcast %parallel_loop3A_281 : i32 to vector<16xi32>
        %parallel_loop3A_283 = arith.shrsi %parallel_loop3A_273, %parallel_loop3A_282 : vector<16xi32>
        %parallel_loop3A_284 = arith.constant 2047 : i32
        %parallel_loop3A_285 = vector.broadcast %parallel_loop3A_284 : i32 to vector<16xi32>
        %parallel_loop3A_286 = arith.andi %parallel_loop3A_283, %parallel_loop3A_285 : vector<16xi32>
        %parallel_loop3A_287 = tpu.vector_load_idx %arg15[%parallel_loop3A_286] : memref<2048xf32, #tpu.memory_space<vmem>>[vector<16xi32>], vector<16xf32>,
        %parallel_loop3A_288 = arith.constant 0.693147182 : f32
        %parallel_loop3A_289 = vector.broadcast %parallel_loop3A_288 : f32 to vector<16xf32>
        %parallel_loop3A_290 = arith.mulf %parallel_loop3A_280, %parallel_loop3A_289 : vector<16xf32>
        %parallel_loop3A_291 = arith.addf %parallel_loop3A_290, %parallel_loop3A_287 : vector<16xf32>
        %parallel_loop3A_292 = arith.constant 32 : i32
        %parallel_loop3A_293 = vector.broadcast %parallel_loop3A_292 : i32 to vector<16xi32>
        %parallel_loop3A_294 = arith.addi %iota3A, %parallel_loop3A_293 : vector<16xi32>
        %parallel_loop3A_295 = arith.addi %parallel_loop3A_178, %parallel_loop3A_294 : vector<16xi32>
        tpu.vector_store_idx %arg13[%parallel_loop3A_295], %parallel_loop3A_270 {add = true} : memref<17408xf32, #tpu.memory_space<vmem>>[vector<16xi32>], vector<16xf32>,
        %parallel_loop3A_296 = arith.constant 64 : i32
        %parallel_loop3A_297 = vector.broadcast %parallel_loop3A_296 : i32 to vector<16xi32>
        %parallel_loop3A_298 = arith.addi %parallel_loop3A_294, %parallel_loop3A_297 : vector<16xi32>
        %parallel_loop3A_299 = arith.addi %parallel_loop3A_178, %parallel_loop3A_298 : vector<16xi32>
        tpu.vector_store_idx %arg13[%parallel_loop3A_299], %parallel_loop3A_271 {add = true} : memref<17408xf32, #tpu.memory_space<vmem>>[vector<16xi32>], vector<16xf32>,
        %parallel_loop3A_300 = arith.constant 128 : i32
        %parallel_loop3A_301 = vector.broadcast %parallel_loop3A_300 : i32 to vector<16xi32>
        %parallel_loop3A_302 = arith.addi %parallel_loop3A_294, %parallel_loop3A_301 : vector<16xi32>
        %parallel_loop3A_303 = arith.addi %parallel_loop3A_178, %parallel_loop3A_302 : vector<16xi32>
        tpu.vector_store_idx %arg13[%parallel_loop3A_303], %parallel_loop3A_272 {add = true} : memref<17408xf32, #tpu.memory_space<vmem>>[vector<16xi32>], vector<16xf32>,
        %parallel_loop3A_304 = arith.constant 192 : i32
        %parallel_loop3A_305 = vector.broadcast %parallel_loop3A_304 : i32 to vector<16xi32>
        %parallel_loop3A_306 = arith.addi %parallel_loop3A_294, %parallel_loop3A_305 : vector<16xi32>
        %parallel_loop3A_307 = arith.addi %parallel_loop3A_178, %parallel_loop3A_306 : vector<16xi32>
        tpu.vector_store_idx %arg13[%parallel_loop3A_307], %parallel_loop3A_291 {add = true} : memref<17408xf32, #tpu.memory_space<vmem>>[vector<16xi32>], vector<16xf32>,
        %parallel_loop3A_308 = arith.index_cast %parallel_loop3A_173 : i32 to index
        %parallel_loop3A_309 = arith.constant 48 : index
        %parallel_loop3A_310 = tpu.vector_load %arg9[%parallel_loop3A_308, %parallel_loop3A_309] {strides = array<i32>} : memref<256x64xf32, #tpu.memory_space<vmem>>, vector<16xf32>,
        %parallel_loop3A_311 = arith.index_cast %parallel_loop3A_173 : i32 to index
        %parallel_loop3A_312 = arith.constant 48 : index
        %parallel_loop3A_313 = tpu.vector_load %arg10[%parallel_loop3A_311, %parallel_loop3A_312] {strides = array<i32>} : memref<256x64xf32, #tpu.memory_space<vmem>>, vector<16xf32>,
        %parallel_loop3A_314 = arith.mulf %parallel_loop3A_313, %parallel_loop3A_310 : vector<16xf32>
        %parallel_loop3A_315 = arith.mulf %parallel_loop3A_314, %parallel_loop3A_310 : vector<16xf32>
        %parallel_loop3A_316 = tpu.bitcast %parallel_loop3A_313 : vector<16xf32> -> vector<16xi32>
        %parallel_loop3A_317 = arith.constant 23 : i32
        %parallel_loop3A_318 = vector.broadcast %parallel_loop3A_317 : i32 to vector<16xi32>
        %parallel_loop3A_319 = arith.shrsi %parallel_loop3A_316, %parallel_loop3A_318 : vector<16xi32>
        %parallel_loop3A_320 = arith.constant 127 : i32
        %parallel_loop3A_321 = vector.broadcast %parallel_loop3A_320 : i32 to vector<16xi32>
        %parallel_loop3A_322 = arith.subi %parallel_loop3A_319, %parallel_loop3A_321 : vector<16xi32>
        %parallel_loop3A_323 = arith.sitofp %parallel_loop3A_322 : vector<16xi32> to vector<16xf32>
        %parallel_loop3A_324 = arith.constant 12 : i32
        %parallel_loop3A_325 = vector.broadcast %parallel_loop3A_324 : i32 to vector<16xi32>
        %parallel_loop3A_326 = arith.shrsi %parallel_loop3A_316, %parallel_loop3A_325 : vector<16xi32>
        %parallel_loop3A_327 = arith.constant 2047 : i32
        %parallel_loop3A_328 = vector.broadcast %parallel_loop3A_327 : i32 to vector<16xi32>
        %parallel_loop3A_329 = arith.andi %parallel_loop3A_326, %parallel_loop3A_328 : vector<16xi32>
        %parallel_loop3A_330 = tpu.vector_load_idx %arg15[%parallel_loop3A_329] : memref<2048xf32, #tpu.memory_space<vmem>>[vector<16xi32>], vector<16xf32>,
        %parallel_loop3A_331 = arith.constant 0.693147182 : f32
        %parallel_loop3A_332 = vector.broadcast %parallel_loop3A_331 : f32 to vector<16xf32>
        %parallel_loop3A_333 = arith.mulf %parallel_loop3A_323, %parallel_loop3A_332 : vector<16xf32>
        %parallel_loop3A_334 = arith.addf %parallel_loop3A_333, %parallel_loop3A_330 : vector<16xf32>
        %parallel_loop3A_335 = arith.constant 48 : i32
        %parallel_loop3A_336 = vector.broadcast %parallel_loop3A_335 : i32 to vector<16xi32>
        %parallel_loop3A_337 = arith.addi %iota3A, %parallel_loop3A_336 : vector<16xi32>
        %parallel_loop3A_338 = arith.addi %parallel_loop3A_178, %parallel_loop3A_337 : vector<16xi32>
        tpu.vector_store_idx %arg13[%parallel_loop3A_338], %parallel_loop3A_313 {add = true} : memref<17408xf32, #tpu.memory_space<vmem>>[vector<16xi32>], vector<16xf32>,
        %parallel_loop3A_339 = arith.constant 64 : i32
        %parallel_loop3A_340 = vector.broadcast %parallel_loop3A_339 : i32 to vector<16xi32>
        %parallel_loop3A_341 = arith.addi %parallel_loop3A_337, %parallel_loop3A_340 : vector<16xi32>
        %parallel_loop3A_342 = arith.addi %parallel_loop3A_178, %parallel_loop3A_341 : vector<16xi32>
        tpu.vector_store_idx %arg13[%parallel_loop3A_342], %parallel_loop3A_314 {add = true} : memref<17408xf32, #tpu.memory_space<vmem>>[vector<16xi32>], vector<16xf32>,
        %parallel_loop3A_343 = arith.constant 128 : i32
        %parallel_loop3A_344 = vector.broadcast %parallel_loop3A_343 : i32 to vector<16xi32>
        %parallel_loop3A_345 = arith.addi %parallel_loop3A_337, %parallel_loop3A_344 : vector<16xi32>
        %parallel_loop3A_346 = arith.addi %parallel_loop3A_178, %parallel_loop3A_345 : vector<16xi32>
        tpu.vector_store_idx %arg13[%parallel_loop3A_346], %parallel_loop3A_315 {add = true} : memref<17408xf32, #tpu.memory_space<vmem>>[vector<16xi32>], vector<16xf32>,
        %parallel_loop3A_347 = arith.constant 192 : i32
        %parallel_loop3A_348 = vector.broadcast %parallel_loop3A_347 : i32 to vector<16xi32>
        %parallel_loop3A_349 = arith.addi %parallel_loop3A_337, %parallel_loop3A_348 : vector<16xi32>
        %parallel_loop3A_350 = arith.addi %parallel_loop3A_178, %parallel_loop3A_349 : vector<16xi32>
        tpu.vector_store_idx %arg13[%parallel_loop3A_350], %parallel_loop3A_334 {add = true} : memref<17408xf32, #tpu.memory_space<vmem>>[vector<16xi32>], vector<16xf32>,
        %parallel_loop3A_351 = arith.constant 256 : i32
        %parallel_loop3A_352 = vector.broadcast %parallel_loop3A_351 : i32 to vector<16xi32>
        %parallel_loop3A_353 = arith.addi %iota3A, %parallel_loop3A_352 : vector<16xi32>
        %parallel_loop3A_354 = arith.addi %parallel_loop3A_178, %parallel_loop3A_353 : vector<16xi32>
        tpu.vector_store_idx %arg13[%parallel_loop3A_354], %convert_element_type3A_40 {add = true} : memref<17408xf32, #tpu.memory_space<vmem>>[vector<16xi32>], vector<16xf32>,
      } {sc.loop_unroll_factor = 16 : i64, sc.parallel_access}
    }
    %scan3A_90 = arith.constant 16 : i32
    %eq3A_91 = arith.constant 1 : i32
    %eq3A_92 = arith.cmpi eq, %select_n3A_30, %eq3A_91 : i32
    %convert_element_type3A_93 = arith.extui %eq3A_92 : i1 to i32
    %cond3A = arith.constant 0 : i32
    %cond3A_94 = arith.cmpi ne, %convert_element_type3A_93, %cond3A : i32
    scf.if %cond3A_94 {
      %jit3A_100 = arith.constant 2 : i32
      %div3A_101 = arith.divsi %arg1, %jit3A_100 : i32
      %sign3A_102 = arith.constant 0 : i32
      %sign3A_103 = arith.cmpi sgt, %arg1, %sign3A_102 : i32
      %sign3A_104 = arith.extui %sign3A_103 : i1 to i32
      %sign3A_105 = arith.constant 0 : i32
      %sign3A_106 = arith.cmpi slt, %arg1, %sign3A_105 : i32
      %sign3A_107 = arith.extui %sign3A_106 : i1 to i32
      %sign3A_108 = arith.subi %sign3A_104, %sign3A_107 : i32
      %sign3A_109 = arith.constant 0 : i32
      %sign3A_110 = arith.cmpi sgt, %jit3A_100, %sign3A_109 : i32
      %sign3A_111 = arith.extui %sign3A_110 : i1 to i32
      %sign3A_112 = arith.constant 0 : i32
      %sign3A_113 = arith.cmpi slt, %jit3A_100, %sign3A_112 : i32
      %sign3A_114 = arith.extui %sign3A_113 : i1 to i32
      %sign3A_115 = arith.subi %sign3A_111, %sign3A_114 : i32
      %ne3A_116 = arith.cmpi ne, %sign3A_108, %sign3A_115 : i32
      %rem3A_117 = arith.remsi %arg1, %jit3A_100 : i32
      %ne3A_118 = arith.constant 0 : i32
      %ne3A_119 = arith.cmpi ne, %rem3A_117, %ne3A_118 : i32
      %and3A_120 = arith.andi %ne3A_116, %ne3A_119 : i1
      %sub3A_121 = arith.constant 1 : i32
      %sub3A_122 = arith.subi %div3A_101, %sub3A_121 : i32
      %select_n3A_123 = arith.select %and3A_120, %sub3A_122, %div3A_101 : i32
      "tpu.region"() ({
        %run_scoped3A = tpu.sem_alloc : memref<!tpu.dma_semaphore, #tpu.memory_space<semaphore_mem>>
        %dma_start3A_124 = arith.constant 0 : i32
        %dma_start3A_125 = tpu.memref_slice %arg19[%select_n3A_123, %dma_start3A_124] : memref<8x17408xf32, #tpu.memory_space<vmem_shared>> -> memref<1x17408xf32, #tpu.memory_space<vmem_shared>>
        %dma_start3A_126 = tpu.memref_squeeze %dma_start3A_125 : memref<1x17408xf32, #tpu.memory_space<vmem_shared>> -> memref<17408xf32, #tpu.memory_space<vmem_shared>>
        %dma_start3A_127 = arith.constant 0 : i32
        %dma_start3A_128 = tpu.memref_slice %arg19[%select_n3A_123, %dma_start3A_127] : memref<8x17408xf32, #tpu.memory_space<vmem_shared>> -> memref<1x17408xf32, #tpu.memory_space<vmem_shared>>
        %dma_start3A_129 = tpu.memref_squeeze %dma_start3A_128 : memref<1x17408xf32, #tpu.memory_space<vmem_shared>> -> memref<17408xf32, #tpu.memory_space<vmem_shared>>
        tpu.enqueue_dma source(%arg13 : memref<17408xf32, #tpu.memory_space<vmem>>) target(%dma_start3A_129 : memref<17408xf32, #tpu.memory_space<vmem_shared>>) target_semaphore(%run_scoped3A : memref<!tpu.dma_semaphore, #tpu.memory_space<semaphore_mem>>)
        %dma_wait3A = arith.constant 0 : i32
        %dma_wait3A_130 = tpu.memref_slice %arg19[%select_n3A_123, %dma_wait3A] : memref<8x17408xf32, #tpu.memory_space<vmem_shared>> -> memref<1x17408xf32, #tpu.memory_space<vmem_shared>>
        %dma_wait3A_131 = tpu.memref_squeeze %dma_wait3A_130 : memref<1x17408xf32, #tpu.memory_space<vmem_shared>> -> memref<17408xf32, #tpu.memory_space<vmem_shared>>
        %dma_wait3A_132 = arith.constant 0 : i32
        %dma_wait3A_133 = tpu.memref_slice %arg19[%select_n3A_123, %dma_wait3A_132] : memref<8x17408xf32, #tpu.memory_space<vmem_shared>> -> memref<1x17408xf32, #tpu.memory_space<vmem_shared>>
        %dma_wait3A_134 = tpu.memref_squeeze %dma_wait3A_133 : memref<1x17408xf32, #tpu.memory_space<vmem_shared>> -> memref<17408xf32, #tpu.memory_space<vmem_shared>>
        tpu.wait_dma2 semaphore(%run_scoped3A : memref<!tpu.dma_semaphore, #tpu.memory_space<semaphore_mem>>) src(%arg13 : memref<17408xf32, #tpu.memory_space<vmem>>) dst(%dma_wait3A_134 : memref<17408xf32, #tpu.memory_space<vmem_shared>>)
        tpu.yield
      }) : () -> ()
    } else {
    }
    %barrier3A = arith.constant 0 : index
    tpu.barrier barrier_id(%barrier3A)
    %eq3A_95 = arith.constant 0 : i32
    %eq3A_96 = arith.cmpi eq, %select_n3A_30, %eq3A_95 : i32
    %convert_element_type3A_97 = arith.extui %eq3A_96 : i1 to i32
    %cond3A_98 = arith.constant 0 : i32
    %cond3A_99 = arith.cmpi ne, %convert_element_type3A_97, %cond3A_98 : i32
    scf.if %cond3A_99 {
      %jit3A_100 = arith.constant 2 : i32
      %div3A_101 = arith.divsi %arg1, %jit3A_100 : i32
      %sign3A_102 = arith.constant 0 : i32
      %sign3A_103 = arith.cmpi sgt, %arg1, %sign3A_102 : i32
      %sign3A_104 = arith.extui %sign3A_103 : i1 to i32
      %sign3A_105 = arith.constant 0 : i32
      %sign3A_106 = arith.cmpi slt, %arg1, %sign3A_105 : i32
      %sign3A_107 = arith.extui %sign3A_106 : i1 to i32
      %sign3A_108 = arith.subi %sign3A_104, %sign3A_107 : i32
      %sign3A_109 = arith.constant 0 : i32
      %sign3A_110 = arith.cmpi sgt, %jit3A_100, %sign3A_109 : i32
      %sign3A_111 = arith.extui %sign3A_110 : i1 to i32
      %sign3A_112 = arith.constant 0 : i32
      %sign3A_113 = arith.cmpi slt, %jit3A_100, %sign3A_112 : i32
      %sign3A_114 = arith.extui %sign3A_113 : i1 to i32
      %sign3A_115 = arith.subi %sign3A_111, %sign3A_114 : i32
      %ne3A_116 = arith.cmpi ne, %sign3A_108, %sign3A_115 : i32
      %rem3A_117 = arith.remsi %arg1, %jit3A_100 : i32
      %ne3A_118 = arith.constant 0 : i32
      %ne3A_119 = arith.cmpi ne, %rem3A_117, %ne3A_118 : i32
      %and3A_120 = arith.andi %ne3A_116, %ne3A_119 : i1
      %sub3A_121 = arith.constant 1 : i32
      %sub3A_122 = arith.subi %div3A_101, %sub3A_121 : i32
      %select_n3A_123 = arith.select %and3A_120, %sub3A_122, %div3A_101 : i32
      "tpu.region"() ({
        %run_scoped3A = tpu.sem_alloc : memref<!tpu.dma_semaphore, #tpu.memory_space<semaphore_mem>>
        %dma_start3A_132 = arith.constant 0 : i32
        %dma_start3A_133 = tpu.memref_slice %arg19[%select_n3A_123, %dma_start3A_132] : memref<8x17408xf32, #tpu.memory_space<vmem_shared>> -> memref<1x17408xf32, #tpu.memory_space<vmem_shared>>
        %dma_start3A_134 = tpu.memref_squeeze %dma_start3A_133 : memref<1x17408xf32, #tpu.memory_space<vmem_shared>> -> memref<17408xf32, #tpu.memory_space<vmem_shared>>
        %dma_start3A_135 = arith.constant 0 : i32
        %dma_start3A_136 = tpu.memref_slice %arg19[%select_n3A_123, %dma_start3A_135] : memref<8x17408xf32, #tpu.memory_space<vmem_shared>> -> memref<1x17408xf32, #tpu.memory_space<vmem_shared>>
        %dma_start3A_137 = tpu.memref_squeeze %dma_start3A_136 : memref<1x17408xf32, #tpu.memory_space<vmem_shared>> -> memref<17408xf32, #tpu.memory_space<vmem_shared>>
        tpu.enqueue_dma source(%dma_start3A_137 : memref<17408xf32, #tpu.memory_space<vmem_shared>>) target(%arg14 : memref<17408xf32, #tpu.memory_space<vmem>>) target_semaphore(%run_scoped3A : memref<!tpu.dma_semaphore, #tpu.memory_space<semaphore_mem>>)
        %dma_wait3A = arith.constant 0 : i32
        %dma_wait3A_138 = tpu.memref_slice %arg19[%select_n3A_123, %dma_wait3A] : memref<8x17408xf32, #tpu.memory_space<vmem_shared>> -> memref<1x17408xf32, #tpu.memory_space<vmem_shared>>
        %dma_wait3A_139 = tpu.memref_squeeze %dma_wait3A_138 : memref<1x17408xf32, #tpu.memory_space<vmem_shared>> -> memref<17408xf32, #tpu.memory_space<vmem_shared>>
        %dma_wait3A_140 = arith.constant 0 : i32
        %dma_wait3A_141 = tpu.memref_slice %arg19[%select_n3A_123, %dma_wait3A_140] : memref<8x17408xf32, #tpu.memory_space<vmem_shared>> -> memref<1x17408xf32, #tpu.memory_space<vmem_shared>>
        %dma_wait3A_142 = tpu.memref_squeeze %dma_wait3A_141 : memref<1x17408xf32, #tpu.memory_space<vmem_shared>> -> memref<17408xf32, #tpu.memory_space<vmem_shared>>
        tpu.wait_dma2 semaphore(%run_scoped3A : memref<!tpu.dma_semaphore, #tpu.memory_space<semaphore_mem>>) src(%dma_wait3A_142 : memref<17408xf32, #tpu.memory_space<vmem_shared>>) dst(%arg14 : memref<17408xf32, #tpu.memory_space<vmem>>)
        tpu.yield
      }) : () -> ()
      %broadcast_in_dim3A_124 = arith.constant 0.000000e+00 : f32
      %broadcast_in_dim3A_125 = vector.broadcast %broadcast_in_dim3A_124 : f32 to vector<16xf32>
      %scan3A_126 = arith.constant 0 : i32
      %scan3A_127 = arith.constant 64 : i32
      %scan3A_128 = arith.addi %scan3A_126, %scan3A_127 : i32
      %scan3A_129 = arith.constant 1 : i32
      %scan3A_130 = scf.for %scan3A_132 = %scan3A_126 to %scan3A_128 step %scan3A_129 iter_args(%scan3A_133 = %broadcast_in_dim3A_125) -> (vector<16xf32>)  : i32 {
        %mul3A_134 = arith.constant 272 : i32
        %mul3A_135 = arith.muli %scan3A_132, %mul3A_134 : i32
        %add3A_136 = arith.constant 256 : i32
        %add3A_137 = arith.addi %mul3A_135, %add3A_136 : i32
        %get3A = arith.index_cast %add3A_137 : i32 to index
        %get3A_138 = tpu.vector_load %arg13[%get3A] {strides = array<i32>} : memref<17408xf32, #tpu.memory_space<vmem>>, vector<16xf32>,
        %add3A_139 = arith.constant 256 : i32
        %add3A_140 = arith.addi %mul3A_135, %add3A_139 : i32
        %get3A_141 = arith.index_cast %add3A_140 : i32 to index
        %get3A_142 = tpu.vector_load %arg14[%get3A_141] {strides = array<i32>} : memref<17408xf32, #tpu.memory_space<vmem>>, vector<16xf32>,
        %add3A_143 = arith.addf %get3A_138, %get3A_142 : vector<16xf32>
        %max3A = arith.constant 1.000000e+00 : f32
        %max3A_144 = vector.broadcast %max3A : f32 to vector<16xf32>
        %max3A_145 = arith.maximumf %add3A_143, %max3A_144 : vector<16xf32>
        %sub3A_146 = arith.constant 1.000000e+00 : f32
        %sub3A_147 = vector.broadcast %sub3A_146 : f32 to vector<16xf32>
        %sub3A_148 = arith.subf %sub3A_147, %max3A_145 : vector<16xf32>
        %mul3A_149 = arith.constant 58.8120651 : f32
        %mul3A_150 = vector.broadcast %mul3A_149 : f32 to vector<16xf32>
        %mul3A_151 = arith.mulf %sub3A_148, %mul3A_150 : vector<16xf32>
        %add3A_152 = arith.constant 0 : i32
        %add3A_153 = arith.addi %mul3A_135, %add3A_152 : i32
        %get3A_154 = arith.index_cast %add3A_153 : i32 to index
        %get3A_155 = tpu.vector_load %arg13[%get3A_154] {strides = array<i32>} : memref<17408xf32, #tpu.memory_space<vmem>>, vector<16xf32>,
        %add3A_156 = arith.constant 0 : i32
        %add3A_157 = arith.addi %mul3A_135, %add3A_156 : i32
        %get3A_158 = arith.index_cast %add3A_157 : i32 to index
        %get3A_159 = tpu.vector_load %arg14[%get3A_158] {strides = array<i32>} : memref<17408xf32, #tpu.memory_space<vmem>>, vector<16xf32>,
        %add3A_160 = arith.addf %get3A_155, %get3A_159 : vector<16xf32>
        %add3A_161 = arith.constant 64 : i32
        %add3A_162 = arith.addi %mul3A_135, %add3A_161 : i32
        %get3A_163 = arith.index_cast %add3A_162 : i32 to index
        %get3A_164 = tpu.vector_load %arg13[%get3A_163] {strides = array<i32>} : memref<17408xf32, #tpu.memory_space<vmem>>, vector<16xf32>,
        %add3A_165 = arith.constant 64 : i32
        %add3A_166 = arith.addi %mul3A_135, %add3A_165 : i32
        %get3A_167 = arith.index_cast %add3A_166 : i32 to index
        %get3A_168 = tpu.vector_load %arg14[%get3A_167] {strides = array<i32>} : memref<17408xf32, #tpu.memory_space<vmem>>, vector<16xf32>,
        %add3A_169 = arith.addf %get3A_164, %get3A_168 : vector<16xf32>
        %add3A_170 = arith.constant 128 : i32
        %add3A_171 = arith.addi %mul3A_135, %add3A_170 : i32
        %get3A_172 = arith.index_cast %add3A_171 : i32 to index
        %get3A_173 = tpu.vector_load %arg13[%get3A_172] {strides = array<i32>} : memref<17408xf32, #tpu.memory_space<vmem>>, vector<16xf32>,
        %add3A_174 = arith.constant 128 : i32
        %add3A_175 = arith.addi %mul3A_135, %add3A_174 : i32
        %get3A_176 = arith.index_cast %add3A_175 : i32 to index
        %get3A_177 = tpu.vector_load %arg14[%get3A_176] {strides = array<i32>} : memref<17408xf32, #tpu.memory_space<vmem>>, vector<16xf32>,
        %add3A_178 = arith.addf %get3A_173, %get3A_177 : vector<16xf32>
        %add3A_179 = arith.constant 192 : i32
        %add3A_180 = arith.addi %mul3A_135, %add3A_179 : i32
        %get3A_181 = arith.index_cast %add3A_180 : i32 to index
        %get3A_182 = tpu.vector_load %arg13[%get3A_181] {strides = array<i32>} : memref<17408xf32, #tpu.memory_space<vmem>>, vector<16xf32>,
        %add3A_183 = arith.constant 192 : i32
        %add3A_184 = arith.addi %mul3A_135, %add3A_183 : i32
        %get3A_185 = arith.index_cast %add3A_184 : i32 to index
        %get3A_186 = tpu.vector_load %arg14[%get3A_185] {strides = array<i32>} : memref<17408xf32, #tpu.memory_space<vmem>>, vector<16xf32>,
        %add3A_187 = arith.addf %get3A_182, %get3A_186 : vector<16xf32>
        %div3A_188 = arith.divf %add3A_169, %add3A_160 : vector<16xf32>
        %mul3A_189 = arith.mulf %add3A_160, %div3A_188 : vector<16xf32>
        %mul3A_190 = arith.mulf %mul3A_189, %div3A_188 : vector<16xf32>
        %sub3A_191 = arith.subf %mul3A_190, %add3A_178 : vector<16xf32>
        %mul3A_192 = arith.constant 5.000000e-01 : f32
        %mul3A_193 = vector.broadcast %mul3A_192 : f32 to vector<16xf32>
        %mul3A_194 = arith.mulf %mul3A_193, %sub3A_191 : vector<16xf32>
        %bitcast_convert_type3A = tpu.bitcast %add3A_160 : vector<16xf32> -> vector<16xi32>
        %shift_right_arithmetic3A = arith.constant 23 : i32
        %shift_right_arithmetic3A_195 = vector.broadcast %shift_right_arithmetic3A : i32 to vector<16xi32>
        %shift_right_arithmetic3A_196 = arith.shrsi %bitcast_convert_type3A, %shift_right_arithmetic3A_195 : vector<16xi32>
        %sub3A_197 = arith.constant 127 : i32
        %sub3A_198 = vector.broadcast %sub3A_197 : i32 to vector<16xi32>
        %sub3A_199 = arith.subi %shift_right_arithmetic3A_196, %sub3A_198 : vector<16xi32>
        %convert_element_type3A_200 = arith.sitofp %sub3A_199 : vector<16xi32> to vector<16xf32>
        %shift_right_arithmetic3A_201 = arith.constant 12 : i32
        %shift_right_arithmetic3A_202 = vector.broadcast %shift_right_arithmetic3A_201 : i32 to vector<16xi32>
        %shift_right_arithmetic3A_203 = arith.shrsi %bitcast_convert_type3A, %shift_right_arithmetic3A_202 : vector<16xi32>
        %and3A_204 = arith.constant 2047 : i32
        %and3A_205 = vector.broadcast %and3A_204 : i32 to vector<16xi32>
        %and3A_206 = arith.andi %shift_right_arithmetic3A_203, %and3A_205 : vector<16xi32>
        %gather3A = tpu.vector_load_idx %arg15[%and3A_206] : memref<2048xf32, #tpu.memory_space<vmem>>[vector<16xi32>], vector<16xf32>,
        %mul3A_207 = arith.constant 0.693147182 : f32
        %mul3A_208 = vector.broadcast %mul3A_207 : f32 to vector<16xf32>
        %mul3A_209 = arith.mulf %convert_element_type3A_200, %mul3A_208 : vector<16xf32>
        %add3A_210 = arith.addf %mul3A_209, %gather3A : vector<16xf32>
        %sub3A_211 = arith.subf %add3A_187, %add3A_210 : vector<16xf32>
        %mul3A_212 = arith.constant 5.000000e-01 : f32
        %mul3A_213 = vector.broadcast %mul3A_212 : f32 to vector<16xf32>
        %mul3A_214 = arith.mulf %mul3A_213, %sub3A_211 : vector<16xf32>
        %add3A_215 = arith.addf %mul3A_214, %mul3A_194 : vector<16xf32>
        %add3A_216 = arith.addf %mul3A_151, %add3A_215 : vector<16xf32>
        %swap3A = arith.index_cast %scan3A_132 : i32 to index
        %swap3A_217 = arith.constant 0 : index
        %swap3A_218 = tpu.vector_load %arg16[%swap3A, %swap3A_217] {strides = array<i32>} : memref<64x64xf32, #tpu.memory_space<vmem>>, vector<16xf32>,
        tpu.vector_store %arg16[%swap3A, %swap3A_217], %div3A_188 {strides = array<i32>} : memref<64x64xf32, #tpu.memory_space<vmem>>, vector<16xf32>,
        %swap3A_219 = arith.index_cast %scan3A_132 : i32 to index
        %swap3A_220 = arith.constant 0 : index
        %swap3A_221 = tpu.vector_load %arg17[%swap3A_219, %swap3A_220] {strides = array<i32>} : memref<64x64xf32, #tpu.memory_space<vmem>>, vector<16xf32>,
        tpu.vector_store %arg17[%swap3A_219, %swap3A_220], %add3A_160 {strides = array<i32>} : memref<64x64xf32, #tpu.memory_space<vmem>>, vector<16xf32>,
        %add3A_222 = arith.constant 16 : i32
        %add3A_223 = arith.addi %mul3A_135, %add3A_222 : i32
        %get3A_224 = arith.index_cast %add3A_223 : i32 to index
        %get3A_225 = tpu.vector_load %arg13[%get3A_224] {strides = array<i32>} : memref<17408xf32, #tpu.memory_space<vmem>>, vector<16xf32>,
        %add3A_226 = arith.constant 16 : i32
        %add3A_227 = arith.addi %mul3A_135, %add3A_226 : i32
        %get3A_228 = arith.index_cast %add3A_227 : i32 to index
        %get3A_229 = tpu.vector_load %arg14[%get3A_228] {strides = array<i32>} : memref<17408xf32, #tpu.memory_space<vmem>>, vector<16xf32>,
        %add3A_230 = arith.addf %get3A_225, %get3A_229 : vector<16xf32>
        %add3A_231 = arith.constant 80 : i32
        %add3A_232 = arith.addi %mul3A_135, %add3A_231 : i32
        %get3A_233 = arith.index_cast %add3A_232 : i32 to index
        %get3A_234 = tpu.vector_load %arg13[%get3A_233] {strides = array<i32>} : memref<17408xf32, #tpu.memory_space<vmem>>, vector<16xf32>,
        %add3A_235 = arith.constant 80 : i32
        %add3A_236 = arith.addi %mul3A_135, %add3A_235 : i32
        %get3A_237 = arith.index_cast %add3A_236 : i32 to index
        %get3A_238 = tpu.vector_load %arg14[%get3A_237] {strides = array<i32>} : memref<17408xf32, #tpu.memory_space<vmem>>, vector<16xf32>,
        %add3A_239 = arith.addf %get3A_234, %get3A_238 : vector<16xf32>
        %add3A_240 = arith.constant 144 : i32
        %add3A_241 = arith.addi %mul3A_135, %add3A_240 : i32
        %get3A_242 = arith.index_cast %add3A_241 : i32 to index
        %get3A_243 = tpu.vector_load %arg13[%get3A_242] {strides = array<i32>} : memref<17408xf32, #tpu.memory_space<vmem>>, vector<16xf32>,
        %add3A_244 = arith.constant 144 : i32
        %add3A_245 = arith.addi %mul3A_135, %add3A_244 : i32
        %get3A_246 = arith.index_cast %add3A_245 : i32 to index
        %get3A_247 = tpu.vector_load %arg14[%get3A_246] {strides = array<i32>} : memref<17408xf32, #tpu.memory_space<vmem>>, vector<16xf32>,
        %add3A_248 = arith.addf %get3A_243, %get3A_247 : vector<16xf32>
        %add3A_249 = arith.constant 208 : i32
        %add3A_250 = arith.addi %mul3A_135, %add3A_249 : i32
        %get3A_251 = arith.index_cast %add3A_250 : i32 to index
        %get3A_252 = tpu.vector_load %arg13[%get3A_251] {strides = array<i32>} : memref<17408xf32, #tpu.memory_space<vmem>>, vector<16xf32>,
        %add3A_253 = arith.constant 208 : i32
        %add3A_254 = arith.addi %mul3A_135, %add3A_253 : i32
        %get3A_255 = arith.index_cast %add3A_254 : i32 to index
        %get3A_256 = tpu.vector_load %arg14[%get3A_255] {strides = array<i32>} : memref<17408xf32, #tpu.memory_space<vmem>>, vector<16xf32>,
        %add3A_257 = arith.addf %get3A_252, %get3A_256 : vector<16xf32>
        %div3A_258 = arith.divf %add3A_239, %add3A_230 : vector<16xf32>
        %mul3A_259 = arith.mulf %add3A_230, %div3A_258 : vector<16xf32>
        %mul3A_260 = arith.mulf %mul3A_259, %div3A_258 : vector<16xf32>
        %sub3A_261 = arith.subf %mul3A_260, %add3A_248 : vector<16xf32>
        %mul3A_262 = arith.constant 5.000000e-01 : f32
        %mul3A_263 = vector.broadcast %mul3A_262 : f32 to vector<16xf32>
        %mul3A_264 = arith.mulf %mul3A_263, %sub3A_261 : vector<16xf32>
        %bitcast_convert_type3A_265 = tpu.bitcast %add3A_230 : vector<16xf32> -> vector<16xi32>
        %shift_right_arithmetic3A_266 = arith.constant 23 : i32
        %shift_right_arithmetic3A_267 = vector.broadcast %shift_right_arithmetic3A_266 : i32 to vector<16xi32>
        %shift_right_arithmetic3A_268 = arith.shrsi %bitcast_convert_type3A_265, %shift_right_arithmetic3A_267 : vector<16xi32>
        %sub3A_269 = arith.constant 127 : i32
        %sub3A_270 = vector.broadcast %sub3A_269 : i32 to vector<16xi32>
        %sub3A_271 = arith.subi %shift_right_arithmetic3A_268, %sub3A_270 : vector<16xi32>
        %convert_element_type3A_272 = arith.sitofp %sub3A_271 : vector<16xi32> to vector<16xf32>
        %shift_right_arithmetic3A_273 = arith.constant 12 : i32
        %shift_right_arithmetic3A_274 = vector.broadcast %shift_right_arithmetic3A_273 : i32 to vector<16xi32>
        %shift_right_arithmetic3A_275 = arith.shrsi %bitcast_convert_type3A_265, %shift_right_arithmetic3A_274 : vector<16xi32>
        %and3A_276 = arith.constant 2047 : i32
        %and3A_277 = vector.broadcast %and3A_276 : i32 to vector<16xi32>
        %and3A_278 = arith.andi %shift_right_arithmetic3A_275, %and3A_277 : vector<16xi32>
        %gather3A_279 = tpu.vector_load_idx %arg15[%and3A_278] : memref<2048xf32, #tpu.memory_space<vmem>>[vector<16xi32>], vector<16xf32>,
        %mul3A_280 = arith.constant 0.693147182 : f32
        %mul3A_281 = vector.broadcast %mul3A_280 : f32 to vector<16xf32>
        %mul3A_282 = arith.mulf %convert_element_type3A_272, %mul3A_281 : vector<16xf32>
        %add3A_283 = arith.addf %mul3A_282, %gather3A_279 : vector<16xf32>
        %sub3A_284 = arith.subf %add3A_257, %add3A_283 : vector<16xf32>
        %mul3A_285 = arith.constant 5.000000e-01 : f32
        %mul3A_286 = vector.broadcast %mul3A_285 : f32 to vector<16xf32>
        %mul3A_287 = arith.mulf %mul3A_286, %sub3A_284 : vector<16xf32>
        %add3A_288 = arith.addf %mul3A_287, %mul3A_264 : vector<16xf32>
        %add3A_289 = arith.addf %add3A_216, %add3A_288 : vector<16xf32>
        %swap3A_290 = arith.index_cast %scan3A_132 : i32 to index
        %swap3A_291 = arith.constant 16 : index
        %swap3A_292 = tpu.vector_load %arg16[%swap3A_290, %swap3A_291] {strides = array<i32>} : memref<64x64xf32, #tpu.memory_space<vmem>>, vector<16xf32>,
        tpu.vector_store %arg16[%swap3A_290, %swap3A_291], %div3A_258 {strides = array<i32>} : memref<64x64xf32, #tpu.memory_space<vmem>>, vector<16xf32>,
        %swap3A_293 = arith.index_cast %scan3A_132 : i32 to index
        %swap3A_294 = arith.constant 16 : index
        %swap3A_295 = tpu.vector_load %arg17[%swap3A_293, %swap3A_294] {strides = array<i32>} : memref<64x64xf32, #tpu.memory_space<vmem>>, vector<16xf32>,
        tpu.vector_store %arg17[%swap3A_293, %swap3A_294], %add3A_230 {strides = array<i32>} : memref<64x64xf32, #tpu.memory_space<vmem>>, vector<16xf32>,
        %add3A_296 = arith.constant 32 : i32
        %add3A_297 = arith.addi %mul3A_135, %add3A_296 : i32
        %get3A_298 = arith.index_cast %add3A_297 : i32 to index
        %get3A_299 = tpu.vector_load %arg13[%get3A_298] {strides = array<i32>} : memref<17408xf32, #tpu.memory_space<vmem>>, vector<16xf32>,
        %add3A_300 = arith.constant 32 : i32
        %add3A_301 = arith.addi %mul3A_135, %add3A_300 : i32
        %get3A_302 = arith.index_cast %add3A_301 : i32 to index
        %get3A_303 = tpu.vector_load %arg14[%get3A_302] {strides = array<i32>} : memref<17408xf32, #tpu.memory_space<vmem>>, vector<16xf32>,
        %add3A_304 = arith.addf %get3A_299, %get3A_303 : vector<16xf32>
        %add3A_305 = arith.constant 96 : i32
        %add3A_306 = arith.addi %mul3A_135, %add3A_305 : i32
        %get3A_307 = arith.index_cast %add3A_306 : i32 to index
        %get3A_308 = tpu.vector_load %arg13[%get3A_307] {strides = array<i32>} : memref<17408xf32, #tpu.memory_space<vmem>>, vector<16xf32>,
        %add3A_309 = arith.constant 96 : i32
        %add3A_310 = arith.addi %mul3A_135, %add3A_309 : i32
        %get3A_311 = arith.index_cast %add3A_310 : i32 to index
        %get3A_312 = tpu.vector_load %arg14[%get3A_311] {strides = array<i32>} : memref<17408xf32, #tpu.memory_space<vmem>>, vector<16xf32>,
        %add3A_313 = arith.addf %get3A_308, %get3A_312 : vector<16xf32>
        %add3A_314 = arith.constant 160 : i32
        %add3A_315 = arith.addi %mul3A_135, %add3A_314 : i32
        %get3A_316 = arith.index_cast %add3A_315 : i32 to index
        %get3A_317 = tpu.vector_load %arg13[%get3A_316] {strides = array<i32>} : memref<17408xf32, #tpu.memory_space<vmem>>, vector<16xf32>,
        %add3A_318 = arith.constant 160 : i32
        %add3A_319 = arith.addi %mul3A_135, %add3A_318 : i32
        %get3A_320 = arith.index_cast %add3A_319 : i32 to index
        %get3A_321 = tpu.vector_load %arg14[%get3A_320] {strides = array<i32>} : memref<17408xf32, #tpu.memory_space<vmem>>, vector<16xf32>,
        %add3A_322 = arith.addf %get3A_317, %get3A_321 : vector<16xf32>
        %add3A_323 = arith.constant 224 : i32
        %add3A_324 = arith.addi %mul3A_135, %add3A_323 : i32
        %get3A_325 = arith.index_cast %add3A_324 : i32 to index
        %get3A_326 = tpu.vector_load %arg13[%get3A_325] {strides = array<i32>} : memref<17408xf32, #tpu.memory_space<vmem>>, vector<16xf32>,
        %add3A_327 = arith.constant 224 : i32
        %add3A_328 = arith.addi %mul3A_135, %add3A_327 : i32
        %get3A_329 = arith.index_cast %add3A_328 : i32 to index
        %get3A_330 = tpu.vector_load %arg14[%get3A_329] {strides = array<i32>} : memref<17408xf32, #tpu.memory_space<vmem>>, vector<16xf32>,
        %add3A_331 = arith.addf %get3A_326, %get3A_330 : vector<16xf32>
        %div3A_332 = arith.divf %add3A_313, %add3A_304 : vector<16xf32>
        %mul3A_333 = arith.mulf %add3A_304, %div3A_332 : vector<16xf32>
        %mul3A_334 = arith.mulf %mul3A_333, %div3A_332 : vector<16xf32>
        %sub3A_335 = arith.subf %mul3A_334, %add3A_322 : vector<16xf32>
        %mul3A_336 = arith.constant 5.000000e-01 : f32
        %mul3A_337 = vector.broadcast %mul3A_336 : f32 to vector<16xf32>
        %mul3A_338 = arith.mulf %mul3A_337, %sub3A_335 : vector<16xf32>
        %bitcast_convert_type3A_339 = tpu.bitcast %add3A_304 : vector<16xf32> -> vector<16xi32>
        %shift_right_arithmetic3A_340 = arith.constant 23 : i32
        %shift_right_arithmetic3A_341 = vector.broadcast %shift_right_arithmetic3A_340 : i32 to vector<16xi32>
        %shift_right_arithmetic3A_342 = arith.shrsi %bitcast_convert_type3A_339, %shift_right_arithmetic3A_341 : vector<16xi32>
        %sub3A_343 = arith.constant 127 : i32
        %sub3A_344 = vector.broadcast %sub3A_343 : i32 to vector<16xi32>
        %sub3A_345 = arith.subi %shift_right_arithmetic3A_342, %sub3A_344 : vector<16xi32>
        %convert_element_type3A_346 = arith.sitofp %sub3A_345 : vector<16xi32> to vector<16xf32>
        %shift_right_arithmetic3A_347 = arith.constant 12 : i32
        %shift_right_arithmetic3A_348 = vector.broadcast %shift_right_arithmetic3A_347 : i32 to vector<16xi32>
        %shift_right_arithmetic3A_349 = arith.shrsi %bitcast_convert_type3A_339, %shift_right_arithmetic3A_348 : vector<16xi32>
        %and3A_350 = arith.constant 2047 : i32
        %and3A_351 = vector.broadcast %and3A_350 : i32 to vector<16xi32>
        %and3A_352 = arith.andi %shift_right_arithmetic3A_349, %and3A_351 : vector<16xi32>
        %gather3A_353 = tpu.vector_load_idx %arg15[%and3A_352] : memref<2048xf32, #tpu.memory_space<vmem>>[vector<16xi32>], vector<16xf32>,
        %mul3A_354 = arith.constant 0.693147182 : f32
        %mul3A_355 = vector.broadcast %mul3A_354 : f32 to vector<16xf32>
        %mul3A_356 = arith.mulf %convert_element_type3A_346, %mul3A_355 : vector<16xf32>
        %add3A_357 = arith.addf %mul3A_356, %gather3A_353 : vector<16xf32>
        %sub3A_358 = arith.subf %add3A_331, %add3A_357 : vector<16xf32>
        %mul3A_359 = arith.constant 5.000000e-01 : f32
        %mul3A_360 = vector.broadcast %mul3A_359 : f32 to vector<16xf32>
        %mul3A_361 = arith.mulf %mul3A_360, %sub3A_358 : vector<16xf32>
        %add3A_362 = arith.addf %mul3A_361, %mul3A_338 : vector<16xf32>
        %add3A_363 = arith.addf %add3A_289, %add3A_362 : vector<16xf32>
        %swap3A_364 = arith.index_cast %scan3A_132 : i32 to index
        %swap3A_365 = arith.constant 32 : index
        %swap3A_366 = tpu.vector_load %arg16[%swap3A_364, %swap3A_365] {strides = array<i32>} : memref<64x64xf32, #tpu.memory_space<vmem>>, vector<16xf32>,
        tpu.vector_store %arg16[%swap3A_364, %swap3A_365], %div3A_332 {strides = array<i32>} : memref<64x64xf32, #tpu.memory_space<vmem>>, vector<16xf32>,
        %swap3A_367 = arith.index_cast %scan3A_132 : i32 to index
        %swap3A_368 = arith.constant 32 : index
        %swap3A_369 = tpu.vector_load %arg17[%swap3A_367, %swap3A_368] {strides = array<i32>} : memref<64x64xf32, #tpu.memory_space<vmem>>, vector<16xf32>,
        tpu.vector_store %arg17[%swap3A_367, %swap3A_368], %add3A_304 {strides = array<i32>} : memref<64x64xf32, #tpu.memory_space<vmem>>, vector<16xf32>,
        %add3A_370 = arith.constant 48 : i32
        %add3A_371 = arith.addi %mul3A_135, %add3A_370 : i32
        %get3A_372 = arith.index_cast %add3A_371 : i32 to index
        %get3A_373 = tpu.vector_load %arg13[%get3A_372] {strides = array<i32>} : memref<17408xf32, #tpu.memory_space<vmem>>, vector<16xf32>,
        %add3A_374 = arith.constant 48 : i32
        %add3A_375 = arith.addi %mul3A_135, %add3A_374 : i32
        %get3A_376 = arith.index_cast %add3A_375 : i32 to index
        %get3A_377 = tpu.vector_load %arg14[%get3A_376] {strides = array<i32>} : memref<17408xf32, #tpu.memory_space<vmem>>, vector<16xf32>,
        %add3A_378 = arith.addf %get3A_373, %get3A_377 : vector<16xf32>
        %add3A_379 = arith.constant 112 : i32
        %add3A_380 = arith.addi %mul3A_135, %add3A_379 : i32
        %get3A_381 = arith.index_cast %add3A_380 : i32 to index
        %get3A_382 = tpu.vector_load %arg13[%get3A_381] {strides = array<i32>} : memref<17408xf32, #tpu.memory_space<vmem>>, vector<16xf32>,
        %add3A_383 = arith.constant 112 : i32
        %add3A_384 = arith.addi %mul3A_135, %add3A_383 : i32
        %get3A_385 = arith.index_cast %add3A_384 : i32 to index
        %get3A_386 = tpu.vector_load %arg14[%get3A_385] {strides = array<i32>} : memref<17408xf32, #tpu.memory_space<vmem>>, vector<16xf32>,
        %add3A_387 = arith.addf %get3A_382, %get3A_386 : vector<16xf32>
        %add3A_388 = arith.constant 176 : i32
        %add3A_389 = arith.addi %mul3A_135, %add3A_388 : i32
        %get3A_390 = arith.index_cast %add3A_389 : i32 to index
        %get3A_391 = tpu.vector_load %arg13[%get3A_390] {strides = array<i32>} : memref<17408xf32, #tpu.memory_space<vmem>>, vector<16xf32>,
        %add3A_392 = arith.constant 176 : i32
        %add3A_393 = arith.addi %mul3A_135, %add3A_392 : i32
        %get3A_394 = arith.index_cast %add3A_393 : i32 to index
        %get3A_395 = tpu.vector_load %arg14[%get3A_394] {strides = array<i32>} : memref<17408xf32, #tpu.memory_space<vmem>>, vector<16xf32>,
        %add3A_396 = arith.addf %get3A_391, %get3A_395 : vector<16xf32>
        %add3A_397 = arith.constant 240 : i32
        %add3A_398 = arith.addi %mul3A_135, %add3A_397 : i32
        %get3A_399 = arith.index_cast %add3A_398 : i32 to index
        %get3A_400 = tpu.vector_load %arg13[%get3A_399] {strides = array<i32>} : memref<17408xf32, #tpu.memory_space<vmem>>, vector<16xf32>,
        %add3A_401 = arith.constant 240 : i32
        %add3A_402 = arith.addi %mul3A_135, %add3A_401 : i32
        %get3A_403 = arith.index_cast %add3A_402 : i32 to index
        %get3A_404 = tpu.vector_load %arg14[%get3A_403] {strides = array<i32>} : memref<17408xf32, #tpu.memory_space<vmem>>, vector<16xf32>,
        %add3A_405 = arith.addf %get3A_400, %get3A_404 : vector<16xf32>
        %div3A_406 = arith.divf %add3A_387, %add3A_378 : vector<16xf32>
        %mul3A_407 = arith.mulf %add3A_378, %div3A_406 : vector<16xf32>
        %mul3A_408 = arith.mulf %mul3A_407, %div3A_406 : vector<16xf32>
        %sub3A_409 = arith.subf %mul3A_408, %add3A_396 : vector<16xf32>
        %mul3A_410 = arith.constant 5.000000e-01 : f32
        %mul3A_411 = vector.broadcast %mul3A_410 : f32 to vector<16xf32>
        %mul3A_412 = arith.mulf %mul3A_411, %sub3A_409 : vector<16xf32>
        %bitcast_convert_type3A_413 = tpu.bitcast %add3A_378 : vector<16xf32> -> vector<16xi32>
        %shift_right_arithmetic3A_414 = arith.constant 23 : i32
        %shift_right_arithmetic3A_415 = vector.broadcast %shift_right_arithmetic3A_414 : i32 to vector<16xi32>
        %shift_right_arithmetic3A_416 = arith.shrsi %bitcast_convert_type3A_413, %shift_right_arithmetic3A_415 : vector<16xi32>
        %sub3A_417 = arith.constant 127 : i32
        %sub3A_418 = vector.broadcast %sub3A_417 : i32 to vector<16xi32>
        %sub3A_419 = arith.subi %shift_right_arithmetic3A_416, %sub3A_418 : vector<16xi32>
        %convert_element_type3A_420 = arith.sitofp %sub3A_419 : vector<16xi32> to vector<16xf32>
        %shift_right_arithmetic3A_421 = arith.constant 12 : i32
        %shift_right_arithmetic3A_422 = vector.broadcast %shift_right_arithmetic3A_421 : i32 to vector<16xi32>
        %shift_right_arithmetic3A_423 = arith.shrsi %bitcast_convert_type3A_413, %shift_right_arithmetic3A_422 : vector<16xi32>
        %and3A_424 = arith.constant 2047 : i32
        %and3A_425 = vector.broadcast %and3A_424 : i32 to vector<16xi32>
        %and3A_426 = arith.andi %shift_right_arithmetic3A_423, %and3A_425 : vector<16xi32>
        %gather3A_427 = tpu.vector_load_idx %arg15[%and3A_426] : memref<2048xf32, #tpu.memory_space<vmem>>[vector<16xi32>], vector<16xf32>,
        %mul3A_428 = arith.constant 0.693147182 : f32
        %mul3A_429 = vector.broadcast %mul3A_428 : f32 to vector<16xf32>
        %mul3A_430 = arith.mulf %convert_element_type3A_420, %mul3A_429 : vector<16xf32>
        %add3A_431 = arith.addf %mul3A_430, %gather3A_427 : vector<16xf32>
        %sub3A_432 = arith.subf %add3A_405, %add3A_431 : vector<16xf32>
        %mul3A_433 = arith.constant 5.000000e-01 : f32
        %mul3A_434 = vector.broadcast %mul3A_433 : f32 to vector<16xf32>
        %mul3A_435 = arith.mulf %mul3A_434, %sub3A_432 : vector<16xf32>
        %add3A_436 = arith.addf %mul3A_435, %mul3A_412 : vector<16xf32>
        %add3A_437 = arith.addf %add3A_363, %add3A_436 : vector<16xf32>
        %swap3A_438 = arith.index_cast %scan3A_132 : i32 to index
        %swap3A_439 = arith.constant 48 : index
        %swap3A_440 = tpu.vector_load %arg16[%swap3A_438, %swap3A_439] {strides = array<i32>} : memref<64x64xf32, #tpu.memory_space<vmem>>, vector<16xf32>,
        tpu.vector_store %arg16[%swap3A_438, %swap3A_439], %div3A_406 {strides = array<i32>} : memref<64x64xf32, #tpu.memory_space<vmem>>, vector<16xf32>,
        %swap3A_441 = arith.index_cast %scan3A_132 : i32 to index
        %swap3A_442 = arith.constant 48 : index
        %swap3A_443 = tpu.vector_load %arg17[%swap3A_441, %swap3A_442] {strides = array<i32>} : memref<64x64xf32, #tpu.memory_space<vmem>>, vector<16xf32>,
        tpu.vector_store %arg17[%swap3A_441, %swap3A_442], %add3A_378 {strides = array<i32>} : memref<64x64xf32, #tpu.memory_space<vmem>>, vector<16xf32>,
        %reduce_sum3A = arith.constant true
        %reduce_sum3A_444 = vector.broadcast %reduce_sum3A : i1 to vector<16xi1>
        %reduce_sum3A_445 = tpu.scan <sum>, %add3A_437 masked %reduce_sum3A_444 : vector<16xf32>, vector<16xi1> -> vector<16xf32>
        %reduce_sum3A_446 = vector.extract %reduce_sum3A_445[15] : f32 from vector<16xf32>
        %jit3A_447 = arith.constant 16 : i32
        %eq3A_448 = arith.constant 0 : i32
        %eq3A_449 = arith.cmpi eq, %jit3A_447, %eq3A_448 : i32
        %jit3A_450 = arith.constant 1 : i32
        %select_n3A_451 = arith.select %eq3A_449, %jit3A_450, %jit3A_447 : i32
        %rem3A_452 = arith.remsi %scan3A_132, %select_n3A_451 : i32
        %ne3A_453 = arith.constant 0 : i32
        %ne3A_454 = arith.cmpi ne, %rem3A_452, %ne3A_453 : i32
        %lt3A_455 = arith.constant 0 : i32
        %lt3A_456 = arith.cmpi slt, %rem3A_452, %lt3A_455 : i32
        %lt3A_457 = arith.constant 0 : i32
        %lt3A_458 = arith.cmpi slt, %select_n3A_451, %lt3A_457 : i32
        %ne3A_459 = arith.xori %lt3A_456, %lt3A_458 : i1
        %and3A_460 = arith.andi %ne3A_459, %ne3A_454 : i1
        %add3A_461 = arith.addi %rem3A_452, %select_n3A_451 : i32
        %select_n3A_462 = arith.select %and3A_460, %add3A_461, %rem3A_452 : i32
        %eq3A_463 = vector.broadcast %select_n3A_462 : i32 to vector<16xi32>
        %eq3A_464 = arith.cmpi eq, %iota3A, %eq3A_463 : vector<16xi32>
        %broadcast_in_dim3A_465 = vector.broadcast %reduce_sum3A_446 : f32 to vector<16xf32>
        %select_n3A_466 = arith.select %eq3A_464, %broadcast_in_dim3A_465, %scan3A_133 : vector<16xi1>, vector<16xf32>
        %jit3A_467 = arith.constant 16 : i32
        %div3A_468 = arith.divsi %scan3A_132, %jit3A_467 : i32
        %sign3A_469 = arith.constant 0 : i32
        %sign3A_470 = arith.cmpi sgt, %scan3A_132, %sign3A_469 : i32
        %sign3A_471 = arith.extui %sign3A_470 : i1 to i32
        %sign3A_472 = arith.constant 0 : i32
        %sign3A_473 = arith.cmpi slt, %scan3A_132, %sign3A_472 : i32
        %sign3A_474 = arith.extui %sign3A_473 : i1 to i32
        %sign3A_475 = arith.subi %sign3A_471, %sign3A_474 : i32
        %sign3A_476 = arith.constant 0 : i32
        %sign3A_477 = arith.cmpi sgt, %jit3A_467, %sign3A_476 : i32
        %sign3A_478 = arith.extui %sign3A_477 : i1 to i32
        %sign3A_479 = arith.constant 0 : i32
        %sign3A_480 = arith.cmpi slt, %jit3A_467, %sign3A_479 : i32
        %sign3A_481 = arith.extui %sign3A_480 : i1 to i32
        %sign3A_482 = arith.subi %sign3A_478, %sign3A_481 : i32
        %ne3A_483 = arith.cmpi ne, %sign3A_475, %sign3A_482 : i32
        %rem3A_484 = arith.remsi %scan3A_132, %jit3A_467 : i32
        %ne3A_485 = arith.constant 0 : i32
        %ne3A_486 = arith.cmpi ne, %rem3A_484, %ne3A_485 : i32
        %and3A_487 = arith.andi %ne3A_483, %ne3A_486 : i1
        %sub3A_488 = arith.constant 1 : i32
        %sub3A_489 = arith.subi %div3A_468, %sub3A_488 : i32
        %select_n3A_490 = arith.select %and3A_487, %sub3A_489, %div3A_468 : i32
        %mul3A_491 = arith.constant 16 : i32
        %mul3A_492 = arith.muli %select_n3A_490, %mul3A_491 : i32
        %swap3A_493 = arith.index_cast %mul3A_492 : i32 to index
        %swap3A_494 = tpu.vector_load %arg18[%swap3A_493] {strides = array<i32>} : memref<64xf32, #tpu.memory_space<vmem>>, vector<16xf32>,
        tpu.vector_store %arg18[%swap3A_493], %select_n3A_466 {strides = array<i32>} : memref<64xf32, #tpu.memory_space<vmem>>, vector<16xf32>,
        scf.yield %select_n3A_466 : vector<16xf32>
      }
      %scan3A_131 = arith.constant 64 : i32
      "tpu.region"() ({
        %run_scoped3A = tpu.sem_alloc : memref<!tpu.dma_semaphore, #tpu.memory_space<semaphore_mem>>
        %dma_start3A_132 = arith.constant 0 : i32
        %dma_start3A_133 = arith.constant 0 : i32
        %dma_start3A_134 = tpu.memref_slice %arg6[%add3A, %dma_start3A_132, %dma_start3A_133] : memref<16x64x64xf32, #tpu.memory_space<hbm>> -> memref<1x64x64xf32, #tpu.memory_space<hbm>>
        %dma_start3A_135 = tpu.memref_squeeze %dma_start3A_134 : memref<1x64x64xf32, #tpu.memory_space<hbm>> -> memref<64x64xf32, #tpu.memory_space<hbm>>
        %dma_start3A_136 = arith.constant 0 : i32
        %dma_start3A_137 = arith.constant 0 : i32
        %dma_start3A_138 = tpu.memref_slice %arg6[%add3A, %dma_start3A_136, %dma_start3A_137] : memref<16x64x64xf32, #tpu.memory_space<hbm>> -> memref<1x64x64xf32, #tpu.memory_space<hbm>>
        %dma_start3A_139 = tpu.memref_squeeze %dma_start3A_138 : memref<1x64x64xf32, #tpu.memory_space<hbm>> -> memref<64x64xf32, #tpu.memory_space<hbm>>
        tpu.enqueue_dma source(%arg16 : memref<64x64xf32, #tpu.memory_space<vmem>>) target(%dma_start3A_139 : memref<64x64xf32, #tpu.memory_space<hbm>>) target_semaphore(%run_scoped3A : memref<!tpu.dma_semaphore, #tpu.memory_space<semaphore_mem>>)
        %dma_wait3A = arith.constant 0 : i32
        %dma_wait3A_140 = arith.constant 0 : i32
        %dma_wait3A_141 = tpu.memref_slice %arg6[%add3A, %dma_wait3A, %dma_wait3A_140] : memref<16x64x64xf32, #tpu.memory_space<hbm>> -> memref<1x64x64xf32, #tpu.memory_space<hbm>>
        %dma_wait3A_142 = tpu.memref_squeeze %dma_wait3A_141 : memref<1x64x64xf32, #tpu.memory_space<hbm>> -> memref<64x64xf32, #tpu.memory_space<hbm>>
        %dma_wait3A_143 = arith.constant 0 : i32
        %dma_wait3A_144 = arith.constant 0 : i32
        %dma_wait3A_145 = tpu.memref_slice %arg6[%add3A, %dma_wait3A_143, %dma_wait3A_144] : memref<16x64x64xf32, #tpu.memory_space<hbm>> -> memref<1x64x64xf32, #tpu.memory_space<hbm>>
        %dma_wait3A_146 = tpu.memref_squeeze %dma_wait3A_145 : memref<1x64x64xf32, #tpu.memory_space<hbm>> -> memref<64x64xf32, #tpu.memory_space<hbm>>
        tpu.wait_dma2 semaphore(%run_scoped3A : memref<!tpu.dma_semaphore, #tpu.memory_space<semaphore_mem>>) src(%arg16 : memref<64x64xf32, #tpu.memory_space<vmem>>) dst(%dma_wait3A_146 : memref<64x64xf32, #tpu.memory_space<hbm>>)
        tpu.yield
      }) : () -> ()
      "tpu.region"() ({
        %run_scoped3A = tpu.sem_alloc : memref<!tpu.dma_semaphore, #tpu.memory_space<semaphore_mem>>
        %dma_start3A_132 = arith.constant 0 : i32
        %dma_start3A_133 = arith.constant 0 : i32
        %dma_start3A_134 = tpu.memref_slice %arg7[%add3A, %dma_start3A_132, %dma_start3A_133] : memref<16x64x64xf32, #tpu.memory_space<hbm>> -> memref<1x64x64xf32, #tpu.memory_space<hbm>>
        %dma_start3A_135 = tpu.memref_squeeze %dma_start3A_134 : memref<1x64x64xf32, #tpu.memory_space<hbm>> -> memref<64x64xf32, #tpu.memory_space<hbm>>
        %dma_start3A_136 = arith.constant 0 : i32
        %dma_start3A_137 = arith.constant 0 : i32
        %dma_start3A_138 = tpu.memref_slice %arg7[%add3A, %dma_start3A_136, %dma_start3A_137] : memref<16x64x64xf32, #tpu.memory_space<hbm>> -> memref<1x64x64xf32, #tpu.memory_space<hbm>>
        %dma_start3A_139 = tpu.memref_squeeze %dma_start3A_138 : memref<1x64x64xf32, #tpu.memory_space<hbm>> -> memref<64x64xf32, #tpu.memory_space<hbm>>
        tpu.enqueue_dma source(%arg17 : memref<64x64xf32, #tpu.memory_space<vmem>>) target(%dma_start3A_139 : memref<64x64xf32, #tpu.memory_space<hbm>>) target_semaphore(%run_scoped3A : memref<!tpu.dma_semaphore, #tpu.memory_space<semaphore_mem>>)
        %dma_wait3A = arith.constant 0 : i32
        %dma_wait3A_140 = arith.constant 0 : i32
        %dma_wait3A_141 = tpu.memref_slice %arg7[%add3A, %dma_wait3A, %dma_wait3A_140] : memref<16x64x64xf32, #tpu.memory_space<hbm>> -> memref<1x64x64xf32, #tpu.memory_space<hbm>>
        %dma_wait3A_142 = tpu.memref_squeeze %dma_wait3A_141 : memref<1x64x64xf32, #tpu.memory_space<hbm>> -> memref<64x64xf32, #tpu.memory_space<hbm>>
        %dma_wait3A_143 = arith.constant 0 : i32
        %dma_wait3A_144 = arith.constant 0 : i32
        %dma_wait3A_145 = tpu.memref_slice %arg7[%add3A, %dma_wait3A_143, %dma_wait3A_144] : memref<16x64x64xf32, #tpu.memory_space<hbm>> -> memref<1x64x64xf32, #tpu.memory_space<hbm>>
        %dma_wait3A_146 = tpu.memref_squeeze %dma_wait3A_145 : memref<1x64x64xf32, #tpu.memory_space<hbm>> -> memref<64x64xf32, #tpu.memory_space<hbm>>
        tpu.wait_dma2 semaphore(%run_scoped3A : memref<!tpu.dma_semaphore, #tpu.memory_space<semaphore_mem>>) src(%arg17 : memref<64x64xf32, #tpu.memory_space<vmem>>) dst(%dma_wait3A_146 : memref<64x64xf32, #tpu.memory_space<hbm>>)
        tpu.yield
      }) : () -> ()
      "tpu.region"() ({
        %run_scoped3A = tpu.sem_alloc : memref<!tpu.dma_semaphore, #tpu.memory_space<semaphore_mem>>
        %dma_start3A_132 = arith.constant 0 : i32
        %dma_start3A_133 = tpu.memref_slice %arg8[%add3A, %dma_start3A_132] : memref<16x64xf32, #tpu.memory_space<hbm>> -> memref<1x64xf32, #tpu.memory_space<hbm>>
        %dma_start3A_134 = tpu.memref_squeeze %dma_start3A_133 : memref<1x64xf32, #tpu.memory_space<hbm>> -> memref<64xf32, #tpu.memory_space<hbm>>
        %dma_start3A_135 = arith.constant 0 : i32
        %dma_start3A_136 = tpu.memref_slice %arg8[%add3A, %dma_start3A_135] : memref<16x64xf32, #tpu.memory_space<hbm>> -> memref<1x64xf32, #tpu.memory_space<hbm>>
        %dma_start3A_137 = tpu.memref_squeeze %dma_start3A_136 : memref<1x64xf32, #tpu.memory_space<hbm>> -> memref<64xf32, #tpu.memory_space<hbm>>
        tpu.enqueue_dma source(%arg18 : memref<64xf32, #tpu.memory_space<vmem>>) target(%dma_start3A_137 : memref<64xf32, #tpu.memory_space<hbm>>) target_semaphore(%run_scoped3A : memref<!tpu.dma_semaphore, #tpu.memory_space<semaphore_mem>>)
        %dma_wait3A = arith.constant 0 : i32
        %dma_wait3A_138 = tpu.memref_slice %arg8[%add3A, %dma_wait3A] : memref<16x64xf32, #tpu.memory_space<hbm>> -> memref<1x64xf32, #tpu.memory_space<hbm>>
        %dma_wait3A_139 = tpu.memref_squeeze %dma_wait3A_138 : memref<1x64xf32, #tpu.memory_space<hbm>> -> memref<64xf32, #tpu.memory_space<hbm>>
        %dma_wait3A_140 = arith.constant 0 : i32
        %dma_wait3A_141 = tpu.memref_slice %arg8[%add3A, %dma_wait3A_140] : memref<16x64xf32, #tpu.memory_space<hbm>> -> memref<1x64xf32, #tpu.memory_space<hbm>>
        %dma_wait3A_142 = tpu.memref_squeeze %dma_wait3A_141 : memref<1x64xf32, #tpu.memory_space<hbm>> -> memref<64xf32, #tpu.memory_space<hbm>>
        tpu.wait_dma2 semaphore(%run_scoped3A : memref<!tpu.dma_semaphore, #tpu.memory_space<semaphore_mem>>) src(%arg18 : memref<64xf32, #tpu.memory_space<vmem>>) dst(%dma_wait3A_142 : memref<64xf32, #tpu.memory_space<hbm>>)
        tpu.yield
      }) : () -> ()
    } else {
    }
    return
  }
}

</mosaic_0001>

<sc_bundles>
// kernel: kernel.3.cloned.1.call-start
scs
__scs_entry_jumppad:
0x0: {  	(pc) =	sbr.rel $0x88, $3  }
0x1: {  	(tag) =	ssettag $0x0;
	lr =	simm.s32 $0x1  }
0x2: {  	[smem:$0x3F9E] =	sst lr;
	_ =	strace $0xD0000000  }
0x3: {  	_ = 	snop  }
0x4: {  	_ = 	snop  }
0x5: {  	_ = 	snop  }
0x6: {  	_ = 	snop  }
0x7: {  	_ = 	snop  }
__scs_overlays_trampoline_lowered:
0x8: {  	[smem:$0x3FAD] =	sst s0  }
0x9: {  	[smem:$0x3FAE] =	sst s1  }
0xa: {  	[smem:$0x3FAF] =	sst s2  }
0xb: {  	[smem:$0x3FB0] =	sst s3  }
0xc: {  	[smem:$0x3FB1] =	sst s4  }
0xd: {  	[smem:$0x3FB2] =	sst s5  }
0xe: {  	[smem:$0x3FB3] =	sst s6  }
0xf: {  	[smem:$0x3FB4] =	sst s7  }
0x10: {  	[smem:$0x3FB5] =	sst s8  }
0x11: {  	[smem:$0x3FB6] =	sst s9;
	s0 =	simm.s32 @!p0 $0x0  }
0x12: {  	s1 =	sld [smem:$0x3F9C];
	s0 =	simm.s32 @p0 $0x1  }
0x13: {  	[smem:$0x3FB7] =	sst s0;
	s0 =	simm.s32 @!p1 $0x0  }
0x14: {  	s2 =	sld [smem:$0x3F9B];
	s0 =	simm.s32 @p1 $0x1  }
0x15: {  	[smem:$0x3FB8] =	sst s0;
	s0 =	simm.s32 @!p2 $0x0  }
0x16: {  	s3 =	sld [smem:$0x3FDB];
	s0 =	simm.s32 @p2 $0x1  }
0x17: {  	s4 =	simm.s32 $0x1BF5;
	[smem:$0x3FBA] =	sst s0  }
0x18: {  	s0 =	sld [smem:$0x3F9D];
	_ =	swait.ge [sflag:s4], $0x0  }
0x19: {  	s7 =	sld [smem:$0x3F9E]  }
0x1a: {  	s8 =	sadd.s32 $0xFFFFE003, lr  }
0x1b: {  	s9 =	sadd.s32 $0xFFFFFEF7, lr;
	s5 =	simm.s32 $0xFFFFFFFF;
	p2 =	slt.u32 s8, $0xFFFFF086  }
0x1c: {  	p1 =	slt.u32 s9, $0xF7A;
	s5 =	simm.s32 @!p2 $0x0  }
0x1d: {  	s5 =	simm.s32 @p1 $0x1;
	p0 =	seq.s32 s7, s2  }
0x1e: {  	s7 =	smul.u32 @!p0 $0xF7A, s2;
	p2 =	seq.s32 @!p0 s5, $0x0  }
0x1f: {  	s9 =	smul.u32 $0xF7A, s1;
	s8 =	simm.s32 @!p0 $0x1BF5;
	p2 =	por !p2, p0  }
0x20: {  	[sflag:s8] =	ssyncset.s32 @!p0 $0xFFFFF086;
	s6 =	sadd.s32 @!p0 s3, s7;
	s7 =	simm.s32 @!p0 $0x108  }
0x21: {  	s3 =	sadd.s32 s3, s9;
	s6 =	sadd.s32 @!p0 $0x88, s6;
	s7 =	simm.s32 @p2 $0x1082  }
0x22: {  	[simem:s7], [sflag:s8] =	dma.local @!p0 [hbm:s6], $0xF7A  }
0x23: {  	s9 =	sor.u32 $0xD0000000, s2;
	s6 =	simm.s32 $0x108;
	_ =	swait.ge @!p0 [sflag:s8], $0x0  }
0x24: {  	s3 =	sadd.s32 $0x88, s3;
	s6 =	simm.s32 @!p1 $0x1082;
	[sflag:s4] =	ssyncset.s32 $0xFFFFF086  }
0x25: {  	[simem:s6], [sflag:s4] =	dma.local [hbm:s3], $0xF7A  }
0x26: {  	[smem:$0x3F9E] =	sst s1;
	(tag) =	ssettag s2;
	_ =	strace s9  }
0x27: {  	s1 =	sld [smem:$0x3FAE]  }
0x28: {  	s2 =	sld [smem:$0x3FAF]  }
0x29: {  	s4 =	sld [smem:$0x3FB1]  }
0x2a: {  	p0 =	seq.s32 s5, $0x0;
	s5 =	sld [smem:$0x3FB2]  }
0x2b: {  	s6 =	sld [smem:$0x3FB3]  }
0x2c: {  	s7 =	sld [smem:$0x3FB4]  }
0x2d: {  	s3 =	simm.s32 $0x108;
	s8 =	sld [smem:$0x3FB5]  }
0x2e: {  	s3 =	simm.s32 @!p0 $0x1082;
	s9 =	sld [smem:$0x3FB6]  }
0x2f: {  	lr =	sadd.s32 s0, s3;
	s0 =	sld [smem:$0x3FAD]  }
0x30: {  	s3 =	sld [smem:$0x3FB0]  }
0x31: {  	[smem:$0x3FB9] =	sst s10  }
0x32: {  	s10 =	sld [smem:$0x3FB7];
	_ =	sdelay $0x3  }
0x33: {  	p0 =	seq.s32 s10, $0x1;
	s10 =	sld [smem:$0x3FB9];
	_ =	sdelay $0x3  }
0x34: {  	[smem:$0x3FB9] =	sst s10  }
0x35: {  	s10 =	sld [smem:$0x3FB8];
	_ =	sdelay $0x3  }
0x36: {  	p1 =	seq.s32 s10, $0x1;
	s10 =	sld [smem:$0x3FB9];
	_ =	sdelay $0x3  }
0x37: {  	[smem:$0x3FB9] =	sst s10  }
0x38: {  	s10 =	sld [smem:$0x3FBA]  }
0x39: {  	_ = 	snop;
	(pc) =	sbr.ind lr, $3  }
0x3a: {  	_ = 	snop  }
0x3b: {  	_ = 	snop  }
0x3c: {  	p2 =	seq.s32 s10, $0x1;
	s10 =	sld [smem:$0x3FB9]  }
0x3d: {  	_ =	shalt  }
0x3e: {  	_ =	shalt  }
0x3f: {  	_ =	shalt  }
0x40: {  	_ =	shalt  }
0x41: {  	_ =	shalt  }
0x42: {  	_ =	shalt  }
0x43: {  	_ =	shalt  }
0x44: {  	_ =	shalt  }
0x45: {  	_ =	shalt  }
0x46: {  	_ =	shalt  }
0x47: {  	_ =	shalt  }
0x48: {  	_ =	shalt  }
0x49: {  	_ =	shalt  }
0x4a: {  	_ =	shalt  }
0x4b: {  	_ =	shalt  }
0x4c: {  	_ =	shalt  }
0x4d: {  	_ =	shalt  }
0x4e: {  	_ =	shalt  }
0x4f: {  	_ =	shalt  }
0x50: {  	_ =	shalt  }
0x51: {  	_ =	shalt  }
0x52: {  	_ =	shalt  }
0x53: {  	_ =	shalt  }
0x54: {  	_ =	shalt  }
0x55: {  	_ =	shalt  }
0x56: {  	_ =	shalt  }
0x57: {  	_ =	shalt  }
0x58: {  	_ =	shalt  }
0x59: {  	_ =	shalt  }
0x5a: {  	_ =	shalt  }
0x5b: {  	_ =	shalt  }
0x5c: {  	_ =	shalt  }
0x5d: {  	_ =	shalt  }
0x5e: {  	_ =	shalt  }
0x5f: {  	_ =	shalt  }
0x60: {  	_ =	shalt  }
0x61: {  	_ =	shalt  }
0x62: {  	_ =	shalt  }
0x63: {  	_ =	shalt  }
0x64: {  	_ =	shalt  }
0x65: {  	_ =	shalt  }
0x66: {  	_ =	shalt  }
0x67: {  	_ =	shalt  }
0x68: {  	_ =	shalt  }
0x69: {  	_ =	shalt  }
0x6a: {  	_ =	shalt  }
0x6b: {  	_ =	shalt  }
0x6c: {  	_ =	shalt  }
0x6d: {  	_ =	shalt  }
0x6e: {  	_ =	shalt  }
0x6f: {  	_ =	shalt  }
0x70: {  	_ =	shalt  }
0x71: {  	_ =	shalt  }
0x72: {  	_ =	shalt  }
0x73: {  	_ =	shalt  }
0x74: {  	_ =	shalt  }
0x75: {  	_ =	shalt  }
0x76: {  	_ =	shalt  }
0x77: {  	_ =	shalt  }
0x78: {  	_ =	shalt  }
0x79: {  	_ =	shalt  }
0x7a: {  	_ =	shalt  }
0x7b: {  	_ =	shalt  }
0x7c: {  	_ =	shalt  }
0x7d: {  	_ =	shalt  }
0x7e: {  	_ =	shalt  }
0x7f: {  	_ =	shalt  }
0x80: {  	_ =	shalt  }
0x81: {  	_ =	shalt  }
0x82: {  	_ =	shalt  }
0x83: {  	_ =	shalt  }
0x84: {  	_ =	shalt  }
0x85: {  	_ =	shalt  }
0x86: {  	_ =	shalt  }
0x87: {  	_ =	shalt  }
.Lfunc_end0:
.L_simem_size_0:
called_computation_lowered:
.L_overlay_start_0:
0x88: {  	s2 =	sld [smem:$0x3FD9]  }
0x89: {  	s3 =	sld [smem:$0x3FFE];
	_ =	sdelay $0x1  }
0x8a: {  	s1 =	srdreg.scid  }
0x8b: {  	s0 =	sand.u32 $0x1, s1  }
0x8c: {  	s14 =	sshll.u32 s0, $0xA;
	s2 =	sadd.s32 s3, s2  }
0x8d: {  	s2 =	sadd.s32 s2, s14  }
0x8e: {  	[smem:$0x3FC5] =	sst s2  }
0x8f: {  	_ = 	snop  }
0x90: {  	s2 =	sld [smem:$0x3FD0];
	_ =	sdelay $0x2  }
0x91: {  	s4 =	simm.s32 $0xA;
	s5 =	simm.s32 $0x10;
	s15 =	sld [smem:$0x3FC7]  }
0x92: {  	[smem:s5], [sflag:s4] =	dma.local [hbm:s2], $0x1  }
0x93: {  	_ =	swait.eq [sflag:s4], $0x1  }
0x94: {  	s16 =	sld [smem:$0x10];
	[sflag:s4] =	ssyncset.done $0x0  }
0x95: {  	s17 =	sld [smem:$0x11];
	[sflag:s4] =	ssyncadd.s32 $0xFFFFFFFF  }
0x96: {  	s18 =	sld [smem:$0x12];
	(tm) =	ssettm $0x1  }
0x97: {  	s6 =	sld [smem:$0x3FFB];
	_ =	sdelay $0x3  }
0x98: {  	_ =	strace s6  }
0x99: {  	s6 =	sld [smem:$0x3FFC];
	_ =	sdelay $0x3  }
0x9a: {  	_ =	strace s6  }
0x9b: {  	s6 =	sld [smem:$0x3FFD];
	_ =	sdelay $0x3  }
0x9c: {  	_ =	strace s6  }
0x9d: {  	_ =	strace $0x8FFFFFFF  }
0x9e: {  	s19 =	sld [smem:$0x3FDB];
	_ =	sdelay $0x1  }
0x9f: {  	s7 =	simm.s32 $_scs_section_size  }
0xa0: {  	s8 =	simm.s32 $_size__tile_overlayer_lowered;
	s9 =	simm.s32 $_tile_overlayer_lowered  }
0xa1: {  	s22 =	simm.s32 $0x1BFF;
	s21 =	sshll.u32 s9, $0x1;
	s6 =	sadd.s32 s7, s19  }
0xa2: {  	s10 =	simm.s32 $0x0;
	s20 =	sshll.u32 s8, $0x1;
	s8 =	sadd.s32 s21, s6  }
0xa3: {  	[timem:s10], [sflag:s22] =	dma.local [hbm:s8], s20  }
0xa4: {  	_ =	swait.ge [sflag:s22], s20  }
0xa5: {  	s7 =	ssub.s32 $0x0, s20;
	[sflag:s22] =	ssyncset.done $0x0  }
0xa6: {  	[sflag:s22] =	ssyncadd.s32 s7;
	_ =	sdelay $0x1  }
0xa7: {  	s23 =	simm.s32 $0x1B8B  }
0xa8: {  	_ =	swait.ge [sflag:s23], $0x1  }
0xa9: {  	[sflag:s23] =	ssyncset.done $0x0  }
0xaa: {  	s25 =	simm.s32 $0x1B8E;
	s24 =	sld [smem:$0x3FFE];
	[sflag:s23] =	ssyncadd.s32 $0xFFFFFFFF  }
0xab: {  	s26 =	simm.s32 $execute0_lowered;
	[smem:$0x3FD2] =	sst s25  }
0xac: {  	s8 =	sshll.u32 s26, $0x1;
	_ =	strace $0x80000046;
	[dreg:$0x1] =	wrdreg $0xFFFFFFFF  }
0xad: {  	s28 =	simm.s32 $_size_execute0_lowered;
	s6 =	sadd.s32 s6, s8;
	[dreg:$0x0] =	wrdreg $0x0  }
0xae: {  	s8 =	sshll.u32 s28, $0x1;
	[dreg:$0x2] =	wrdreg s6  }
0xaf: {  	[dreg:$0x3] =	wrdreg s8  }
0xb0: {  	[dreg:$0x4] =	wrdreg $0xC0  }
0xb1: {  	_ =	task [dreg:s10], $0x5FFFF  }
0xb2: {  	[dreg:$0x1] =	wrdreg $0xFFFFFFFF  }
0xb3: {  	[dreg:$0x0] =	wrdreg $0x60  }
0xb4: {  	[dreg:$0x2] =	wrdreg s24  }
0xb5: {  	[dreg:$0x3] =	wrdreg s15  }
0xb6: {  	[dreg:$0x4] =	wrdreg s16  }
0xb7: {  	[dreg:$0x5] =	wrdreg s17  }
0xb8: {  	[dreg:$0x6] =	wrdreg s18  }
0xb9: {  	[dreg:$0x7] =	wrdreg $0x1D1800  }
0xba: {  	[dreg:$0x8] =	wrdreg $0x9  }
0xbb: {  	_ =	task.clear_ibuf [dreg:s10], $0x9FFFF;
	_ =	strace $0x90000046  }
0xbc: {  	s29 =	simm.s32 $0x9;
	_ =	strace $0x80000048  }
0xbd: {  	_ =	swait.ge [sflag:s29], $0x1  }
0xbe: {  	[sflag:s29] =	ssyncadd.s32 $0xFFFFFFFF  }
0xbf: {  	_ =	strace $0x90000048  }
0xc0: {  	_ =	sfence  }
0xc1: {  	s30 =	sld [smem:$0x0];
	_ =	sdelay $0x2  }
0xc2: {  	s31 =	sshll.u32 s1, $0xD;
	s1 =	sshrl.u32 s1, $0x2  }
0xc3: {  	s3 =	sand.u32 $0x4000, s31;
	s1 =	sadd.s32 s1, s30  }
0xc4: {  	s0 =	sor.u32 s3, s0;
	s1 =	sshll.u32 s1, $0x11  }
0xc5: {  	s0 =	sor.u32 s1, s0  }
0xc6: {  	s0 =	sadd.s32 $0x8F2B, s0  }
0xc7: {  	[sflag:s0] =	ssyncadd.remote.s32 $0x1  }
0xc8: {  	_ =	sfence.sel $0xFFFF  }
0xc9: {  	[dreg:$0x0] =	wrdreg $0xFFFFFFFF;
	(pc) =	sbr.abs _section_cstart, $3  }
0xca: {  	[dreg:$0x1] =	wrdreg $0xFFFFFFFF  }
0xcb: {  	_ =	task.clear_ibuf [dreg:s10], $0x2FFFF;
	_ =	strace $0x9FFFFFFF  }
0xcc: {  	(tm) =	ssettm $0x7FFFFFFF  }
0xcd: {  	_ =	shalt  }
tec
execute0_lowered:
.L_overlay_start_1:
0x0: {  	(tag) =	ssettag $0x1  }
0x1: {  	s0 =	rddreg [dreg:$0x0]  }
0x2: {  	s2 =	rddreg [dreg:$0x1]  }
0x3: {  	s12 =	rddreg [dreg:$0x2]  }
0x4: {  	s13 =	rddreg [dreg:$0x3]  }
0x5: {  	s14 =	rddreg [dreg:$0x4]  }
0x6: {  	s11 =	rddreg [dreg:$0x5]  }
0x7: {  	s1 =	simm.s32 $0x0;
	s4 =	srdreg.scid;
	s9 =	stileid.u32  }
0x8: {  	s21 =	simm.s32 $0x10100;
	s22 =	simm.s32 $0x80;
	s23 =	simm.s32 $0x400  }
0x9: {  	s29 =	simm.s32 $0x0;
	[smem:$0x7FF] =	sst s1;
	s3 =	sadd.s32 $0x1800, s0  }
0xa: {  	s10 =	sand.u32 $0x1, s4;
	s4 =	sadd.s32 $0x101800, s0;
	s7 =	sshrl.u32 s9, $0x1  }
0xb: {  	s5 =	sadd.s32 $0x201800, s0;
	s19 =	sand.u32 $0x1, s9;
	_ =	strace $0x80000047  }
0xc: {  	s6 =	sshll.u32 s10, $0x3;
	s24 =	ssub.s32 $0x2, s10;
	s9 =	sshll.u32 s19, $0x12  }
0xd: {  	s16 =	sshll.u32 s10, $0xF;
	s17 =	sshll.u32 s7, $0x7;
	s26 =	sshll.u32 s19, $0xE  }
0xe: {  	s18 =	sshll.u32 s19, $0xB;
	s20 =	sshll.u32 s10, $0xA;
	p0 =	seq.s32 s19, $0x0  }
0xf: {  	s15 =	sor.u32 s7, s6;
	s8 =	sshrl.u32 s24, $0x1;
	s16 =	sor.u32 s17, s16  }
0x10: {  	s10 =	sor.u32 $0x80, s18;
	s30 =	sor.u32 s20, s17;
	s11 =	sadd.s32 s17, s11  }
0x11: {  	v0 =	vimm.f32 $0.0e+00;
	v1 =	vlaneseq.u32;
	s17 =	simm.s32 $0x18900;
	s18 =	simm.s32 $0x3;
	s20 =	simm.s32 $0x10000  }
0x12: {  	vm0 =	vcmask $0x300;
	v2 =	vor.u32 $0x40, v1;
	v3 =	vor.u32 $0x80, v1;
	s6 =	sshll.u32 s15, $0x13;
	s0 =	ssub.s32 s24, s8;
	s15 =	sshll.u32 s15, $0xA  }
.Ltmp0:
0x13: {  	v4 =	vor.u32 $0xC0, v1;
	v5 =	vor.u32 $0x10, v1;
	v6 =	vor.u32 $0x50, v1;
	s31 =	sshrl.u32 s30, $0x3;
	s25 =	sor.u32 s9, s6;
	(pc) =	sbr.rel .LBB2_1-.Ltmp0, $4  }
0x14: {  	v7 =	vor.u32 $0x90, v1;
	v8 =	vor.u32 $0xD0, v1;
	v9 =	vor.u32 $0x20, v1;
	s9 =	sor.u32 s26, s16;
	s12 =	sadd.s32 s12, s15;
	s13 =	sadd.s32 s13, s15  }
0x15: {  	v10 =	vor.u32 $0x60, v1;
	v11 =	vor.u32 $0xA0, v1;
	v12 =	vor.u32 $0xE0, v1;
	s14 =	sadd.s32 s14, s31;
	s16 =	sshrl.u32 s16, $0x3;
	s15 =	smax.u32 s0, $0x1  }
0x16: {  	v13 =	vor.u32 $0x30, v1;
	v14 =	vor.u32 $0x70, v1;
	v15 =	vor.u32 $0xB0, v1;
	s28 =	sshrl.u32 s25, $0x3;
	s9 =	sshrl.u32 s9, $0x3;
	s16 =	sadd.s32 s2, s16  }
0x17: {  	v16 =	vor.u32 $0xF0, v1;
	v17 =	vor.u32 $0x100, v1;
	v18 =	vsel vm0, $0x3F800000, v0;
	s7 =	sadd.s32 s3, s28;
	s8 =	sadd.s32 s4, s28;
	s9 =	sadd.s32 s2, s9  }
.LBB2_8:
0x18: {  	[spmem:s11] =	stream.strided.scatter [tilespmem:s21], [sflag:$0x3], $0x4400, s23, s22, $0x38;
	[tilespmem:$0x1F380] =	vst v63  }
0x19: {  	_ =	swait.ge [sflag:s18], $0x4400  }
0x1a: {  	[sflag:s18] =	ssyncset.done $0x0  }
0x1b: {  	[sflag:s18] =	ssyncadd.s32 $0xFFFFBC00  }
0x1c: {  	[bflag:$0x0] =	sbarrier.arrive $0xFFFF  }
.LBB2_12:
0x1d: {  	s29 =	sadd.s32 $0x1, s29  }
0x1e: {  	p1 =	sne.s32 s29, s15  }
.Ltmp1:
0x1f: {  	_ = 	snop;
	(pc) =	sbr.rel @!p1 .LBB2_13-.Ltmp1, $1  }
0x20: {  	_ =	sdelay $0x3  }
.LBB2_1:
0x21: {  	[tilespmem:s17], [sflag:$0x3] =	stream.linear.gather [hbm4b:s5+s1], $0x800, $0x38;
	[tilespmem:$0x1F380] =	vst v63  }
0x22: {  	_ =	swait.ge [sflag:s18], $0x800  }
0x23: {  	[sflag:s18] =	ssyncset.done $0x0  }
0x24: {  	s0 =	simm.s32 $0x40;
	s2 =	simm.s32 $0x0;
	[sflag:s18] =	ssyncadd.s32 $0xFFFFF800  }
.LBB2_2:
0x25: {  	p1 =	sne.s32 s0, $0x10FC0;
	[tilespmem:s2+$0x10100] =	vst v0;
	s2 =	smov.u32 s0;
	s0 =	sadd.s32 $0x40, s0  }
.Ltmp2:
0x26: {  	(pc) =	sbr.rel @p1 .LBB2_2-.Ltmp2, $2  }
0x27: {  	_ =	sdelay $0x2  }
0x28: {  	s2 =	sshra.s32 s2, $0x2  }
0x29: {  	[tilespmem:s2+$0x10100] =	vst v0;
	s30 =	simm.s32 $0x0  }
0x2a: {  	[tilespmem:s30], [sflag:$0x1] =	stream.linear.gather [hbm4b:s7+s30], $0x4000, $0x38;
	[tilespmem:$0x1F380] =	vst v63  }
0x2b: {  	s0 =	simm.s32 $0x8000  }
0x2c: {  	[tilespmem:s0], [sflag:$0x1] =	stream.linear.gather [hbm4b:s8+s30], $0x4000, $0x38;
	[tilespmem:$0x1F380] =	vst v63  }
0x2d: {  	p1 =	por $0x0, $0x0  }
0x2e: {  	[tilespmem:s20], [sflag:$0x1] =	stream.linear.gather [hbm4b:s9+s30], $0x80, $0x38;
	[tilespmem:$0x1F380] =	vst v63  }
.LBB2_4:
0x2f: {  	p2 =	seq.s32 s30, $0xF  }
0x30: {  	s0 =	sshll.u32 @!p2 s30, $0x7  }
0x31: {  	s0 =	sadd.s32 @!p2 s0, s10  }
0x32: {  	s19 =	sshll.u32 @!p2 s0, $0x7  }
0x33: {  	s2 =	sand.u32 $0x1, s30;
	s19 =	sadd.s32 @!p2 s6, s19  }
0x34: {  	s24 =	sxor.u32 @!p2 $0x1, s2;
	s31 =	simm.s32 @!p2 $0x0;
	s19 =	sshrl.u32 @!p2 s19, $0x3  }
0x35: {  	s25 =	sadd.s32 @!p2 $0x1, s24;
	s26 =	sshll.u32 @!p2 s24, $0xE;
	s28 =	sadd.s32 @!p2 s3, s19  }
0x36: {  	[tilespmem:s26], [sflag:s25] =	stream.linear.gather @!p2 [hbm4b:s28+s31], $0x4000, $0x38;
	[tilespmem:$0x1F380] =	vst v63  }
0x37: {  	s19 =	sadd.s32 @!p2 s4, s19;
	s26 =	sor.u32 @!p2 $0x8000, s26  }
0x38: {  	[tilespmem:s26], [sflag:s25] =	stream.linear.gather @!p2 [hbm4b:s19+s31], $0x4000, $0x38;
	[tilespmem:$0x1F380] =	vst v63  }
0x39: {  	s19 =	sshll.u32 @!p2 s24, $0x7  }
0x3a: {  	s0 =	sadd.s32 @!p2 s16, s0;
	s26 =	sadd.s32 $0x1, s2;
	s19 =	sor.u32 @!p2 $0x10000, s19  }
0x3b: {  	[tilespmem:s19], [sflag:s25] =	stream.linear.gather @!p2 [hbm4b:s0+s31], $0x80, $0x38;
	[tilespmem:$0x1F380] =	vst v63  }
0x3c: {  	_ =	swait.ge [sflag:s26], $0x4000  }
0x3d: {  	[sflag:s26] =	ssyncset.done $0x0  }
0x3e: {  	[sflag:s26] =	ssyncadd.s32 $0xFFFFC000  }
0x3f: {  	_ =	swait.ge [sflag:s26], $0x4000  }
0x40: {  	[sflag:s26] =	ssyncset.done $0x0  }
0x41: {  	s0 =	simm.s32 $0x1;
	[sflag:s26] =	ssyncadd.s32 $0xFFFFC000  }
0x42: {  	s24 =	simm.s32 $0xFFFFFFF0;
	s0 =	simm.s32 @!p1 $0x0;
	_ =	swait.ge [sflag:s26], $0x80  }
0x43: {  	s28 =	sshll.u32 s0, $0xE;
	s31 =	sshll.u32 s0, $0x7;
	[sflag:s26] =	ssyncset.done $0x0  }
0x44: {  	s0 =	sor.u32 $0x8400, s28;
	s2 =	sor.u32 $0x400, s28;
	[sflag:s26] =	ssyncadd.s32 $0xFFFFFF80  }
.LBB2_5:
0x45: {  	s25 =	sadd.s32 s24, s31  }
0x46: {  	s19 =	sadd.s32 $0x10, s25  }
0x47: {  	v19 =	vmov s19  }
0x48: {  	v19 =	vand.u32 $0xFFFFFFF0, v19  }
0x49: {  	v19 =	vbroadcast v19, $0x0;
	_ =	sdelay $0x2  }
0x4a: {  	v20 =	vld [tilespmem:s0+$0xFFFFFC00];
	_ =	sdelay $0x2  }
0x4b: {  	v19 =	vld.idx.msk [tilespmem:v19+s20+$0x0], $0xffff;
	_ =	sdelay $0x1  }
0x4c: {  	v21 =	vshrl.u32 v20, $0xC  }
0x4d: {  	v21 =	vand.u32 $0x7FF, v21;
	_ =	sdelay $0x1  }
0x4e: {  	v22 =	vld [tilespmem:s2+$0xFFFFFC00];
	v19 =	vmul.u32 $0x110, v19;
	_ =	sdelay $0x1  }
0x4f: {  	v23 =	vshra.s32 v20, $0x17;
	v24 =	vor.u32 v1, v19  }
0x50: {  	v23 =	vadd.s32 $0xFFFFFF81, v23;
	v21 =	vld.idx.msk [tilespmem:v21+s17+$0x0], $0xffff;
	v25 =	vadd.s32 v2, v19  }
0x51: {  	v23 =	vcvt.s32.f32 v23;
	v26 =	vadd.s32 v3, v19  }
0x52: {  	v27 =	vmul.f32 v20, v22;
	v28 =	vadd.s32 v4, v19  }
0x53: {  	v23 =	vmul.f32 $6.931471820e-01, v23  }
0x54: {  	v22 =	vmul.f32 v27, v22;
	[tilespmem:v24+s21+$0x0] =	vst.idx.add.f32.msk $0xffff, v20  }
0x55: {  	v20 =	vadd.f32 v23, v21;
	[tilespmem:v25+s21+$0x0] =	vst.idx.add.f32.msk $0xffff, v27  }
0x56: {  	[tilespmem:v26+s21+$0x0] =	vst.idx.add.f32.msk $0xffff, v22  }
0x57: {  	[tilespmem:v28+s21+$0x0] =	vst.idx.add.f32.msk $0xffff, v20  }
0x58: {  	v20 =	vld [tilespmem:s0+$0xFFFFFC10];
	_ =	sdelay $0x3  }
0x59: {  	s28 =	sadd.s32 $0x11, s25  }
0x5a: {  	v46 =	vmov s28;
	v45 =	vshrl.u32 v20, $0xC  }
0x5b: {  	v22 =	vand.u32 $0xFFFFFFF1, v46;
	v21 =	vand.u32 $0x7FF, v45  }
0x5c: {  	v22 =	vbroadcast v22, $0x0  }
0x5d: {  	v47 =	vld [tilespmem:s2+$0xFFFFFC10];
	_ =	sdelay $0x1  }
0x5e: {  	v51 =	vld [tilespmem:s0+$0xFFFFFC80];
	v49 =	vadd.s32 v5, v19;
	v48 =	vshra.s32 v20, $0x17  }
0x5f: {  	v50 =	vadd.s32 v6, v19;
	v24 =	vadd.s32 $0xFFFFFF81, v48;
	v21 =	vld.idx.msk [tilespmem:v21+s17+$0x0], $0xffff  }
0x60: {  	v52 =	vadd.s32 v7, v19;
	v24 =	vcvt.s32.f32 v24  }
0x61: {  	v30 =	vadd.s32 v8, v19;
	v29 =	vmul.f32 v20, v47;
	v22 =	vld.idx.msk [tilespmem:v22+s20+$0x0], $0xffff  }
0x62: {  	v54 =	vld [tilespmem:s2+$0xFFFFFC80];
	v24 =	vmul.f32 $6.931471820e-01, v24  }
0x63: {  	v53 =	vshrl.u32 v51, $0xC;
	v23 =	vmul.f32 v29, v47;
	[tilespmem:v49+s21+$0x0] =	vst.idx.add.f32.msk $0xffff, v20  }
0x64: {  	[tilespmem:v50+s21+$0x0] =	vst.idx.add.f32.msk $0xffff, v29;
	v20 =	vadd.f32 v24, v21;
	v21 =	vand.u32 $0x7FF, v53  }
0x65: {  	[tilespmem:v52+s21+$0x0] =	vst.idx.add.f32.msk $0xffff, v23  }
0x66: {  	[tilespmem:v30+s21+$0x0] =	vst.idx.add.f32.msk $0xffff, v20;
	v20 =	vmul.u32 $0x110, v22  }
0x67: {  	v23 =	vld [tilespmem:s0+$0xFFFFFC20]  }
0x68: {  	v55 =	vshra.s32 v51, $0x17;
	v56 =	vor.u32 v1, v20  }
0x69: {  	v24 =	vadd.s32 $0xFFFFFF81, v55;
	v57 =	vadd.s32 v2, v20;
	v21 =	vld.idx.msk [tilespmem:v21+s17+$0x0], $0xffff  }
0x6a: {  	v24 =	vcvt.s32.f32 v24;
	v58 =	vadd.s32 v3, v20  }
0x6b: {  	v59 =	vmul.f32 v51, v54;
	v60 =	vadd.s32 v4, v20  }
0x6c: {  	v31 =	vld [tilespmem:s2+$0xFFFFFC20];
	v24 =	vmul.f32 $6.931471820e-01, v24;
	v32 =	vshrl.u32 v23, $0xC  }
0x6d: {  	v22 =	vmul.f32 v59, v54;
	v32 =	vand.u32 $0x7FF, v32;
	[tilespmem:v56+s21+$0x0] =	vst.idx.add.f32.msk $0xffff, v51  }
0x6e: {  	v21 =	vadd.f32 v24, v21;
	[tilespmem:v57+s21+$0x0] =	vst.idx.add.f32.msk $0xffff, v59  }
0x6f: {  	[tilespmem:v58+s21+$0x0] =	vst.idx.add.f32.msk $0xffff, v22  }
0x70: {  	[tilespmem:v60+s21+$0x0] =	vst.idx.add.f32.msk $0xffff, v21  }
0x71: {  	v62 =	vadd.s32 v9, v19;
	v61 =	vshra.s32 v23, $0x17;
	v63 =	vld [tilespmem:s0+$0xFFFFFC90]  }
0x72: {  	v34 =	vadd.s32 v10, v19;
	v21 =	vadd.s32 $0xFFFFFF81, v61;
	v33 =	vld.idx.msk [tilespmem:v32+s17+$0x0], $0xffff  }
0x73: {  	v35 =	vadd.s32 v11, v19;
	v21 =	vcvt.s32.f32 v21  }
0x74: {  	v37 =	vadd.s32 v12, v19;
	v47 =	vld [tilespmem:s0+$0xFFFFFD00];
	v36 =	vmul.f32 v23, v31  }
0x75: {  	v42 =	vld [tilespmem:s2+$0xFFFFFC90];
	v21 =	vmul.f32 $6.931471820e-01, v21  }
0x76: {  	s26 =	sadd.s32 $0x12, s25;
	v38 =	vmul.f32 v36, v31;
	[tilespmem:v62+s21+$0x0] =	vst.idx.add.f32.msk $0xffff, v23;
	v39 =	vshrl.u32 v63, $0xC  }
0x77: {  	v40 =	vmov s26;
	[tilespmem:v34+s21+$0x0] =	vst.idx.add.f32.msk $0xffff, v36;
	v21 =	vadd.f32 v21, v33;
	v22 =	vand.u32 $0x7FF, v39  }
0x78: {  	v41 =	vand.u32 $0xFFFFFFF2, v40;
	[tilespmem:v35+s21+$0x0] =	vst.idx.add.f32.msk $0xffff, v38  }
0x79: {  	v45 =	vadd.s32 v5, v20;
	[tilespmem:v37+s21+$0x0] =	vst.idx.add.f32.msk $0xffff, v21;
	v21 =	vbroadcast v41, $0x0  }
0x7a: {  	v56 =	vld [tilespmem:s2+$0xFFFFFD00]  }
0x7b: {  	v46 =	vadd.s32 v6, v20;
	v44 =	vshra.s32 v63, $0x17;
	v43 =	vld [tilespmem:s0+$0xFFFFFC30]  }
0x7c: {  	v52 =	vshrl.u32 v47, $0xC;
	v48 =	vadd.s32 v7, v20;
	v26 =	vadd.s32 $0xFFFFFF81, v44;
	v22 =	vld.idx.msk [tilespmem:v22+s17+$0x0], $0xffff  }
0x7d: {  	v53 =	vand.u32 $0x7FF, v52;
	v50 =	vmul.f32 v63, v42;
	v26 =	vcvt.s32.f32 v26;
	v49 =	vld [tilespmem:s2+$0xFFFFFC30]  }
0x7e: {  	v33 =	vadd.s32 v8, v20;
	[tilespmem:v45+s21+$0x0] =	vst.idx.add.f32.msk $0xffff, v63  }
0x7f: {  	v23 =	vmul.f32 v50, v42;
	v26 =	vmul.f32 $6.931471820e-01, v26;
	v21 =	vld.idx.msk [tilespmem:v21+s20+$0x0], $0xffff  }
0x80: {  	[tilespmem:v46+s21+$0x0] =	vst.idx.add.f32.msk $0xffff, v50  }
0x81: {  	v57 =	vshra.s32 v47, $0x17;
	[tilespmem:v48+s21+$0x0] =	vst.idx.add.f32.msk $0xffff, v23;
	v34 =	vshrl.u32 v43, $0xC;
	v22 =	vadd.f32 v26, v22  }
0x82: {  	v30 =	vadd.s32 $0xFFFFFF81, v57;
	v23 =	vld.idx.msk [tilespmem:v53+s17+$0x0], $0xffff;
	v51 =	vand.u32 $0x7FF, v34  }
0x83: {  	v54 =	vadd.s32 v13, v19;
	v61 =	vcvt.s32.f32 v30;
	[tilespmem:v33+s21+$0x0] =	vst.idx.add.f32.msk $0xffff, v22  }
0x84: {  	v55 =	vadd.s32 v14, v19;
	v33 =	vld [tilespmem:s0+$0xFFFFFF00];
	v21 =	vmul.u32 $0x110, v21  }
0x85: {  	v40 =	vadd.s32 v15, v19;
	v25 =	vshra.s32 v43, $0x17;
	v26 =	vmul.f32 $6.931471820e-01, v61;
	v28 =	vld [tilespmem:s0+$0xFFFFFCA0]  }
0x86: {  	s28 =	sadd.s32 $0x13, s25;
	v59 =	vmul.f32 v43, v49;
	v25 =	vadd.s32 $0xFFFFFF81, v25;
	v36 =	vld [tilespmem:s2+$0xFFFFFCA0];
	v58 =	vor.u32 v1, v21  }
0x87: {  	v53 =	vmov s28;
	v25 =	vcvt.s32.f32 v25;
	v23 =	vadd.f32 v26, v23;
	v24 =	vld.idx.msk [tilespmem:v51+s17+$0x0], $0xffff  }
0x88: {  	v26 =	vand.u32 $0xFFFFFFF3, v53;
	[tilespmem:v54+s21+$0x0] =	vst.idx.add.f32.msk $0xffff, v43;
	v43 =	vmul.f32 v59, v49;
	v60 =	vadd.s32 v2, v21  }
0x89: {  	v41 =	vadd.s32 v16, v19;
	[tilespmem:v55+s21+$0x0] =	vst.idx.add.f32.msk $0xffff, v59;
	v55 =	vbroadcast v26, $0x0  }
0x8a: {  	v25 =	vmul.f32 $6.931471820e-01, v25;
	[tilespmem:v40+s21+$0x0] =	vst.idx.add.f32.msk $0xffff, v43  }
0x8b: {  	v63 =	vmul.f32 v47, v56;
	v62 =	vadd.s32 v3, v21;
	[tilespmem:v58+s21+$0x0] =	vst.idx.add.f32.msk $0xffff, v47  }
0x8c: {  	v19 =	vadd.s32 v17, v19;
	v24 =	vadd.f32 v25, v24;
	v58 =	vld [tilespmem:s0+$0xFFFFFD80]  }
0x8d: {  	v35 =	vadd.s32 v4, v21;
	v37 =	vshrl.u32 v28, $0xC;
	[tilespmem:v60+s21+$0x0] =	vst.idx.add.f32.msk $0xffff, v63  }
0x8e: {  	v27 =	vmul.f32 v63, v56;
	v37 =	vand.u32 $0x7FF, v37;
	[tilespmem:v41+s21+$0x0] =	vst.idx.add.f32.msk $0xffff, v24  }
0x8f: {  	v24 =	vld.idx.msk [tilespmem:v55+s20+$0x0], $0xffff  }
0x90: {  	v42 =	vadd.s32 v9, v20;
	[tilespmem:v62+s21+$0x0] =	vst.idx.add.f32.msk $0xffff, v27  }
0x91: {  	[tilespmem:v19+s21+$0x0] =	vst.idx.add.f32.msk $0xffff, v18  }
0x92: {  	v44 =	vshra.s32 v28, $0x17;
	[tilespmem:v35+s21+$0x0] =	vst.idx.add.f32.msk $0xffff, v23  }
0x93: {  	v45 =	vadd.s32 v10, v20;
	v47 =	vadd.s32 $0xFFFFFF81, v44;
	v48 =	vld.idx.msk [tilespmem:v37+s17+$0x0], $0xffff  }
0x94: {  	v49 =	vadd.s32 v11, v20;
	v25 =	vcvt.s32.f32 v47;
	v46 =	vld [tilespmem:s0+$0xFFFFFD10]  }
0x95: {  	v51 =	vadd.s32 v12, v20;
	v50 =	vmul.f32 v28, v36;
	[tilespmem:v42+s21+$0x0] =	vst.idx.add.f32.msk $0xffff, v28;
	v38 =	vshrl.u32 v58, $0xC  }
0x96: {  	v25 =	vmul.f32 $6.931471820e-01, v25;
	v56 =	vld [tilespmem:s2+$0xFFFFFD10];
	v40 =	vand.u32 $0x7FF, v38  }
0x97: {  	v52 =	vmul.f32 v50, v36;
	v42 =	vld [tilespmem:s2+$0xFFFFFD80];
	v22 =	vmul.u32 $0x110, v24  }
0x98: {  	[tilespmem:v45+s21+$0x0] =	vst.idx.add.f32.msk $0xffff, v50;
	v25 =	vadd.f32 v25, v48  }
0x99: {  	[tilespmem:v49+s21+$0x0] =	vst.idx.add.f32.msk $0xffff, v52;
	v44 =	vor.u32 v1, v22;
	v54 =	vshrl.u32 v46, $0xC  }
0x9a: {  	v23 =	vand.u32 $0x7FF, v54;
	[tilespmem:v51+s21+$0x0] =	vst.idx.add.f32.msk $0xffff, v25  }
0x9b: {  	v45 =	vadd.s32 v2, v22;
	v29 =	vld.idx.msk [tilespmem:v40+s17+$0x0], $0xffff  }
0x9c: {  	v57 =	vadd.s32 v5, v21;
	v27 =	vld [tilespmem:s0+$0xFFFFFCB0]  }
0x9d: {  	v63 =	vld [tilespmem:s2+$0xFFFFFCB0]  }
0x9e: {  	v60 =	vadd.s32 v6, v21;
	v59 =	vshra.s32 v46, $0x17;
	v47 =	vmul.f32 v58, v42;
	[tilespmem:v44+s21+$0x0] =	vst.idx.add.f32.msk $0xffff, v58  }
0x9f: {  	v61 =	vadd.s32 v7, v21;
	v62 =	vmul.f32 v46, v56;
	v28 =	vadd.s32 $0xFFFFFF81, v59;
	v23 =	vld.idx.msk [tilespmem:v23+s17+$0x0], $0xffff  }
0xa0: {  	v28 =	vcvt.s32.f32 v28;
	[tilespmem:v45+s21+$0x0] =	vst.idx.add.f32.msk $0xffff, v47  }
0xa1: {  	v26 =	vmul.f32 v62, v56;
	[tilespmem:v57+s21+$0x0] =	vst.idx.add.f32.msk $0xffff, v46;
	v46 =	vadd.s32 v3, v22  }
0xa2: {  	v37 =	vadd.s32 v8, v21;
	v24 =	vmul.f32 v47, v42;
	v28 =	vmul.f32 $6.931471820e-01, v28;
	v47 =	vld [tilespmem:s2+$0xFFFFFE00]  }
0xa3: {  	v43 =	vshra.s32 v58, $0x17;
	[tilespmem:v60+s21+$0x0] =	vst.idx.add.f32.msk $0xffff, v62;
	v39 =	vshrl.u32 v27, $0xC;
	v53 =	vmul.f32 v27, v63  }
0xa4: {  	[tilespmem:v61+s21+$0x0] =	vst.idx.add.f32.msk $0xffff, v26;
	v31 =	vand.u32 $0x7FF, v39;
	v23 =	vadd.f32 v28, v23;
	v28 =	vadd.s32 $0xFFFFFF81, v43  }
0xa5: {  	v41 =	vadd.s32 v13, v20;
	v56 =	vmul.f32 v53, v63;
	v63 =	vld [tilespmem:s0+$0xFFFFFE00];
	v28 =	vcvt.s32.f32 v28  }
0xa6: {  	v48 =	vadd.s32 v4, v22;
	[tilespmem:v46+s21+$0x0] =	vst.idx.add.f32.msk $0xffff, v24  }
0xa7: {  	s26 =	sadd.s32 $0x14, s25;
	[tilespmem:v37+s21+$0x0] =	vst.idx.add.f32.msk $0xffff, v23;
	v28 =	vmul.f32 $6.931471820e-01, v28  }
0xa8: {  	v55 =	vmov s26;
	v23 =	vld [tilespmem:s0+$0xFFFFFD20]  }
0xa9: {  	v50 =	vadd.s32 v14, v20;
	v24 =	vand.u32 $0xFFFFFFF4, v55;
	v31 =	vld.idx.msk [tilespmem:v31+s17+$0x0], $0xffff;
	v28 =	vadd.f32 v28, v29  }
0xaa: {  	v51 =	vadd.s32 v15, v20;
	v24 =	vbroadcast v24, $0x0;
	[tilespmem:v41+s21+$0x0] =	vst.idx.add.f32.msk $0xffff, v27  }
0xab: {  	[tilespmem:v48+s21+$0x0] =	vst.idx.add.f32.msk $0xffff, v28  }
0xac: {  	v42 =	vshrl.u32 v63, $0xC;
	v32 =	vld [tilespmem:s0+$0xFFFFFD90]  }
0xad: {  	v49 =	vld [tilespmem:s2+$0xFFFFFD20];
	v30 =	vand.u32 $0x7FF, v42;
	v52 =	vshrl.u32 v23, $0xC  }
0xae: {  	[tilespmem:v50+s21+$0x0] =	vst.idx.add.f32.msk $0xffff, v53;
	v54 =	vand.u32 $0x7FF, v52  }
0xaf: {  	v57 =	vadd.s32 v9, v21;
	[tilespmem:v51+s21+$0x0] =	vst.idx.add.f32.msk $0xffff, v56  }
0xb0: {  	v58 =	vadd.s32 v10, v21;
	v24 =	vld.idx.msk [tilespmem:v24+s20+$0x0], $0xffff  }
0xb1: {  	v62 =	vadd.s32 v11, v21;
	v40 =	vld [tilespmem:s2+$0xFFFFFD90];
	v38 =	vshrl.u32 v32, $0xC  }
0xb2: {  	v59 =	vshra.s32 v23, $0x17;
	v61 =	vmul.f32 v23, v49;
	v30 =	vld.idx.msk [tilespmem:v30+s17+$0x0], $0xffff;
	v39 =	vand.u32 $0x7FF, v38  }
0xb3: {  	v44 =	vadd.s32 v6, v22;
	v41 =	vadd.s32 v5, v22;
	v25 =	vadd.s32 $0xFFFFFF81, v59;
	v60 =	vld.idx.msk [tilespmem:v54+s17+$0x0], $0xffff  }
0xb4: {  	v25 =	vcvt.s32.f32 v25;
	v29 =	vmul.f32 v61, v49;
	v43 =	vshra.s32 v32, $0x17;
	[tilespmem:v57+s21+$0x0] =	vst.idx.add.f32.msk $0xffff, v23  }
0xb5: {  	v46 =	vadd.s32 v7, v22;
	v37 =	vadd.s32 v12, v21;
	v23 =	vadd.s32 $0xFFFFFF81, v43;
	[tilespmem:v58+s21+$0x0] =	vst.idx.add.f32.msk $0xffff, v61  }
0xb6: {  	v25 =	vmul.f32 $6.931471820e-01, v25;
	v45 =	vcvt.s32.f32 v23;
	v23 =	vmul.u32 $0x110, v24;
	[tilespmem:v62+s21+$0x0] =	vst.idx.add.f32.msk $0xffff, v29  }
0xb7: {  	v48 =	vmul.f32 v32, v40;
	v26 =	vld.idx.msk [tilespmem:v39+s17+$0x0], $0xffff  }
0xb8: {  	v50 =	vor.u32 v1, v23;
	v25 =	vadd.f32 v25, v60;
	[tilespmem:v41+s21+$0x0] =	vst.idx.add.f32.msk $0xffff, v32  }
0xb9: {  	v28 =	vmul.f32 v48, v40;
	[tilespmem:v44+s21+$0x0] =	vst.idx.add.f32.msk $0xffff, v48  }
0xba: {  	v49 =	vshra.s32 v63, $0x17;
	[tilespmem:v37+s21+$0x0] =	vst.idx.add.f32.msk $0xffff, v25  }
0xbb: {  	v29 =	vadd.s32 $0xFFFFFF81, v49;
	[tilespmem:v46+s21+$0x0] =	vst.idx.add.f32.msk $0xffff, v28  }
0xbc: {  	s28 =	sadd.s32 $0x15, s25;
	v27 =	vshra.s32 v27, $0x17;
	v29 =	vcvt.s32.f32 v29;
	v39 =	vadd.s32 v2, v23;
	v25 =	vld [tilespmem:s0+$0xFFFFFD30]  }
0xbd: {  	v52 =	vmul.f32 v63, v47;
	v59 =	vmov s28;
	v51 =	vadd.s32 v3, v23;
	[tilespmem:v50+s21+$0x0] =	vst.idx.add.f32.msk $0xffff, v63  }
0xbe: {  	v38 =	vadd.s32 v8, v22;
	v54 =	vmul.f32 $6.931471820e-01, v29;
	v29 =	vand.u32 $0xFFFFFFF5, v59;
	v32 =	vld [tilespmem:s2+$0xFFFFFD30]  }
0xbf: {  	v27 =	vadd.s32 $0xFFFFFF81, v27;
	v35 =	vmul.f32 $6.931471820e-01, v45;
	v29 =	vbroadcast v29, $0x0;
	v63 =	vld [tilespmem:s0+$0xFFFFFE80]  }
0xc0: {  	v27 =	vcvt.s32.f32 v27;
	v24 =	vmul.f32 v52, v47;
	v50 =	vld [tilespmem:s2+$0xFFFFFE80]  }
0xc1: {  	v53 =	vadd.s32 v4, v23;
	v26 =	vadd.f32 v35, v26;
	[tilespmem:v39+s21+$0x0] =	vst.idx.add.f32.msk $0xffff, v52  }
0xc2: {  	v57 =	vmul.f32 $6.931471820e-01, v27;
	[tilespmem:v51+s21+$0x0] =	vst.idx.add.f32.msk $0xffff, v24  }
0xc3: {  	v55 =	vadd.s32 v16, v20;
	[tilespmem:v38+s21+$0x0] =	vst.idx.add.f32.msk $0xffff, v26  }
0xc4: {  	v24 =	vadd.f32 v57, v31;
	v26 =	vadd.f32 v54, v30;
	v56 =	vshrl.u32 v25, $0xC;
	v31 =	vld [tilespmem:s0+$0xFFFFFDA0]  }
0xc5: {  	v29 =	vld.idx.msk [tilespmem:v29+s20+$0x0], $0xffff;
	v58 =	vand.u32 $0x7FF, v56  }
0xc6: {  	v60 =	vadd.s32 v13, v21;
	[tilespmem:v53+s21+$0x0] =	vst.idx.add.f32.msk $0xffff, v26  }
0xc7: {  	v61 =	vadd.s32 v14, v21;
	v26 =	vld [tilespmem:s0+$0xFFFFFE10]  }
0xc8: {  	[tilespmem:v55+s21+$0x0] =	vst.idx.add.f32.msk $0xffff, v24;
	v49 =	vshrl.u32 v63, $0xC  }
0xc9: {  	v39 =	vand.u32 $0x7FF, v49;
	v35 =	vld [tilespmem:s2+$0xFFFFFE10];
	v44 =	vshrl.u32 v31, $0xC  }
0xca: {  	v45 =	vmul.f32 v25, v32;
	v27 =	vld.idx.msk [tilespmem:v58+s17+$0x0], $0xffff;
	v30 =	vand.u32 $0x7FF, v44  }
0xcb: {  	[tilespmem:v60+s21+$0x0] =	vst.idx.add.f32.msk $0xffff, v25;
	v60 =	vadd.s32 v15, v21  }
0xcc: {  	v62 =	vshrl.u32 v26, $0xC;
	[tilespmem:v61+s21+$0x0] =	vst.idx.add.f32.msk $0xffff, v45;
	v61 =	vadd.s32 v9, v22  }
0xcd: {  	v37 =	vld [tilespmem:s2+$0xFFFFFDA0];
	v47 =	vshra.s32 v26, $0x17;
	v28 =	vand.u32 $0x7FF, v62  }
0xce: {  	v46 =	vadd.s32 v5, v23;
	v54 =	vld.idx.msk [tilespmem:v39+s17+$0x0], $0xffff;
	v39 =	vmul.f32 v45, v32;
	v24 =	vadd.s32 $0xFFFFFF81, v47  }
0xcf: {  	v48 =	vadd.s32 v6, v23;
	v40 =	vcvt.s32.f32 v24;
	v24 =	vmul.u32 $0x110, v29;
	v30 =	vld.idx.msk [tilespmem:v30+s17+$0x0], $0xffff  }
0xd0: {  	v41 =	vadd.s32 v7, v23;
	v42 =	vmul.f32 v26, v35;
	[tilespmem:v60+s21+$0x0] =	vst.idx.add.f32.msk $0xffff, v39  }
0xd1: {  	v52 =	vshra.s32 v63, $0x17;
	v53 =	vor.u32 v1, v24;
	[tilespmem:v61+s21+$0x0] =	vst.idx.add.f32.msk $0xffff, v31  }
0xd2: {  	v51 =	vmul.f32 v42, v35;
	v35 =	vadd.s32 $0xFFFFFF81, v52;
	v55 =	vadd.s32 v2, v24;
	v28 =	vld.idx.msk [tilespmem:v28+s17+$0x0], $0xffff  }
0xd3: {  	v56 =	vcvt.s32.f32 v35;
	v57 =	vadd.s32 v3, v24;
	[tilespmem:v46+s21+$0x0] =	vst.idx.add.f32.msk $0xffff, v26  }
0xd4: {  	v58 =	vmul.f32 v63, v50;
	v59 =	vadd.s32 v4, v24;
	[tilespmem:v48+s21+$0x0] =	vst.idx.add.f32.msk $0xffff, v42  }
0xd5: {  	v43 =	vadd.s32 v8, v23;
	v26 =	vmul.f32 $6.931471820e-01, v56;
	[tilespmem:v41+s21+$0x0] =	vst.idx.add.f32.msk $0xffff, v51  }
0xd6: {  	v29 =	vmul.f32 v58, v50;
	v40 =	vmul.f32 $6.931471820e-01, v40;
	[tilespmem:v53+s21+$0x0] =	vst.idx.add.f32.msk $0xffff, v63  }
0xd7: {  	v26 =	vadd.f32 v26, v54;
	[tilespmem:v55+s21+$0x0] =	vst.idx.add.f32.msk $0xffff, v58  }
0xd8: {  	v28 =	vadd.f32 v40, v28;
	[tilespmem:v57+s21+$0x0] =	vst.idx.add.f32.msk $0xffff, v29  }
0xd9: {  	v62 =	vshra.s32 v31, $0x17;
	v63 =	vadd.s32 v10, v22;
	[tilespmem:v59+s21+$0x0] =	vst.idx.add.f32.msk $0xffff, v26  }
0xda: {  	[tilespmem:v43+s21+$0x0] =	vst.idx.add.f32.msk $0xffff, v28;
	v28 =	vadd.s32 $0xFFFFFF81, v62  }
0xdb: {  	v25 =	vshra.s32 v25, $0x17;
	v43 =	vadd.s32 v11, v22;
	v44 =	vld [tilespmem:s0+$0xFFFFFE90];
	v40 =	vcvt.s32.f32 v28  }
0xdc: {  	v45 =	vmul.f32 v31, v37;
	v25 =	vadd.s32 $0xFFFFFF81, v25;
	v41 =	vld [tilespmem:s0+$0xFFFFFE20]  }
0xdd: {  	v25 =	vcvt.s32.f32 v25;
	v46 =	vadd.s32 v12, v22;
	v56 =	vld [tilespmem:s2+$0xFFFFFE90];
	v26 =	vmul.f32 $6.931471820e-01, v40  }
0xde: {  	v49 =	vmul.f32 v45, v37;
	[tilespmem:v63+s21+$0x0] =	vst.idx.add.f32.msk $0xffff, v45  }
0xdf: {  	v25 =	vmul.f32 $6.931471820e-01, v25;
	v50 =	vld [tilespmem:s2+$0xFFFFFE20];
	v26 =	vadd.f32 v26, v30  }
0xe0: {  	[tilespmem:v43+s21+$0x0] =	vst.idx.add.f32.msk $0xffff, v49;
	v52 =	vshrl.u32 v44, $0xC;
	v59 =	vshra.s32 v44, $0x17;
	v43 =	vadd.s32 v16, v21  }
0xe1: {  	v47 =	vshrl.u32 v41, $0xC;
	v30 =	vand.u32 $0x7FF, v52;
	v28 =	vadd.s32 $0xFFFFFF81, v59;
	v59 =	vld [tilespmem:s2+$0xFFFFFF00]  }
0xe2: {  	v48 =	vand.u32 $0x7FF, v47;
	[tilespmem:v46+s21+$0x0] =	vst.idx.add.f32.msk $0xffff, v26  }
0xe3: {  	v60 =	vadd.s32 v5, v24;
	v25 =	vadd.f32 v25, v27;
	v36 =	vld [tilespmem:s0+$0xFFFFFDB0]  }
0xe4: {  	v51 =	vadd.s32 v9, v23;
	v32 =	vld [tilespmem:s2+$0xFFFFFDB0]  }
0xe5: {  	v61 =	vadd.s32 v6, v24;
	[tilespmem:v43+s21+$0x0] =	vst.idx.add.f32.msk $0xffff, v25  }
0xe6: {  	v54 =	vadd.s32 v10, v23;
	v53 =	vshra.s32 v41, $0x17;
	v30 =	vld.idx.msk [tilespmem:v30+s17+$0x0], $0xffff  }
0xe7: {  	v62 =	vadd.s32 v7, v24;
	v26 =	vadd.s32 $0xFFFFFF81, v53;
	v31 =	vld.idx.msk [tilespmem:v48+s17+$0x0], $0xffff  }
0xe8: {  	v55 =	vadd.s32 v11, v23;
	v63 =	vmul.f32 v44, v56;
	v26 =	vcvt.s32.f32 v26;
	[tilespmem:v60+s21+$0x0] =	vst.idx.add.f32.msk $0xffff, v44  }
0xe9: {  	v58 =	vadd.s32 v12, v23;
	v57 =	vmul.f32 v41, v50;
	v28 =	vcvt.s32.f32 v28;
	[tilespmem:v51+s21+$0x0] =	vst.idx.add.f32.msk $0xffff, v41  }
0xea: {  	v42 =	vmul.f32 v63, v56;
	v26 =	vmul.f32 $6.931471820e-01, v26;
	[tilespmem:v61+s21+$0x0] =	vst.idx.add.f32.msk $0xffff, v63;
	v44 =	vshrl.u32 v36, $0xC  }
0xeb: {  	v29 =	vmul.f32 v57, v50;
	[tilespmem:v54+s21+$0x0] =	vst.idx.add.f32.msk $0xffff, v57;
	v45 =	vand.u32 $0x7FF, v44  }
0xec: {  	s26 =	sadd.s32 $0x16, s25;
	v37 =	vadd.s32 v8, v24;
	v41 =	vmul.f32 $6.931471820e-01, v28;
	[tilespmem:v62+s21+$0x0] =	vst.idx.add.f32.msk $0xffff, v42;
	v26 =	vadd.f32 v26, v31  }
0xed: {  	v46 =	vmov s26;
	[tilespmem:v55+s21+$0x0] =	vst.idx.add.f32.msk $0xffff, v29  }
0xee: {  	v47 =	vadd.s32 v13, v22;
	[tilespmem:v58+s21+$0x0] =	vst.idx.add.f32.msk $0xffff, v26;
	v26 =	vadd.f32 v41, v30;
	v30 =	vand.u32 $0xFFFFFFF6, v46  }
0xef: {  	v48 =	vadd.s32 v14, v22;
	v31 =	vld [tilespmem:s0+$0xFFFFFE30];
	v30 =	vbroadcast v30, $0x0  }
0xf0: {  	v28 =	vld.idx.msk [tilespmem:v45+s17+$0x0], $0xffff  }
0xf1: {  	[tilespmem:v37+s21+$0x0] =	vst.idx.add.f32.msk $0xffff, v26  }
0xf2: {  	v34 =	vmul.f32 v36, v32;
	v55 =	vshrl.u32 v33, $0xC;
	v26 =	vld [tilespmem:s0+$0xFFFFFEA0]  }
0xf3: {  	v40 =	vand.u32 $0x7FF, v55;
	[tilespmem:v47+s21+$0x0] =	vst.idx.add.f32.msk $0xffff, v36  }
0xf4: {  	[tilespmem:v48+s21+$0x0] =	vst.idx.add.f32.msk $0xffff, v34;
	v50 =	vshrl.u32 v31, $0xC  }
0xf5: {  	v27 =	vand.u32 $0x7FF, v50;
	v30 =	vld.idx.msk [tilespmem:v30+s20+$0x0], $0xffff  }
0xf6: {  	v52 =	vadd.s32 v9, v24;
	v51 =	vld [tilespmem:s2+$0xFFFFFEA0];
	v50 =	vadd.s32 v15, v22  }
0xf7: {  	v61 =	vshra.s32 v33, $0x17;
	v38 =	vld [tilespmem:s2+$0xFFFFFE30];
	v49 =	vshrl.u32 v26, $0xC;
	v53 =	vshra.s32 v26, $0x17  }
0xf8: {  	v54 =	vadd.s32 v10, v24;
	v63 =	vld.idx.msk [tilespmem:v40+s17+$0x0], $0xffff;
	v29 =	vand.u32 $0x7FF, v49;
	v25 =	vadd.s32 $0xFFFFFF81, v53  }
0xf9: {  	v57 =	vadd.s32 v11, v24;
	v55 =	vmul.f32 v34, v32;
	v34 =	vld [tilespmem:s0+$0xFFFFFF80];
	v56 =	vcvt.s32.f32 v25  }
0xfa: {  	v48 =	vmul.f32 v33, v59;
	v53 =	vshra.s32 v31, $0x17;
	v27 =	vld.idx.msk [tilespmem:v27+s17+$0x0], $0xffff;
	v25 =	vmul.u32 $0x110, v30  }
0xfb: {  	v58 =	vmul.f32 v26, v51;
	v41 =	vmul.f32 $6.931471820e-01, v56;
	v56 =	vadd.s32 $0xFFFFFF81, v53;
	[tilespmem:v50+s21+$0x0] =	vst.idx.add.f32.msk $0xffff, v55  }
0xfc: {  	v30 =	vmul.f32 v48, v59;
	v59 =	vcvt.s32.f32 v56;
	v56 =	vld [tilespmem:s2+$0xFFFFFF80];
	v62 =	vor.u32 v1, v25  }
0xfd: {  	v35 =	vadd.s32 $0xFFFFFF81, v61;
	v29 =	vld.idx.msk [tilespmem:v29+s17+$0x0], $0xffff;
	v45 =	vadd.s32 v2, v25  }
0xfe: {  	v46 =	vcvt.s32.f32 v35;
	v60 =	vmul.f32 v58, v51;
	[tilespmem:v52+s21+$0x0] =	vst.idx.add.f32.msk $0xffff, v26;
	v47 =	vadd.s32 v3, v25  }
0xff: {  	v49 =	vadd.s32 v4, v25;
	[tilespmem:v54+s21+$0x0] =	vst.idx.add.f32.msk $0xffff, v58  }
0x100: {  	v36 =	vshra.s32 v36, $0x17;
	v26 =	vmul.f32 $6.931471820e-01, v46;
	[tilespmem:v57+s21+$0x0] =	vst.idx.add.f32.msk $0xffff, v60  }
0x101: {  	v44 =	vadd.s32 v12, v24;
	v36 =	vadd.s32 $0xFFFFFF81, v36;
	[tilespmem:v62+s21+$0x0] =	vst.idx.add.f32.msk $0xffff, v33  }
0x102: {  	v36 =	vcvt.s32.f32 v36;
	v26 =	vadd.f32 v26, v63;
	[tilespmem:v45+s21+$0x0] =	vst.idx.add.f32.msk $0xffff, v48  }
0x103: {  	v51 =	vadd.s32 v16, v22;
	v53 =	vshrl.u32 v34, $0xC;
	[tilespmem:v47+s21+$0x0] =	vst.idx.add.f32.msk $0xffff, v30  }
0x104: {  	v32 =	vand.u32 $0x7FF, v53;
	v52 =	vmul.f32 $6.931471820e-01, v36;
	v29 =	vadd.f32 v41, v29;
	[tilespmem:v49+s21+$0x0] =	vst.idx.add.f32.msk $0xffff, v26  }
0x105: {  	v54 =	vadd.s32 v13, v23;
	v62 =	vmul.f32 v31, v38;
	v61 =	vld [tilespmem:s0+$0xFFFFFF10]  }
0x106: {  	s28 =	sadd.s32 $0x17, s25;
	v57 =	vadd.s32 v14, v23;
	v58 =	vadd.f32 v52, v28;
	[tilespmem:v44+s21+$0x0] =	vst.idx.add.f32.msk $0xffff, v29  }
0x107: {  	v60 =	vadd.s32 v15, v23;
	v36 =	vmul.f32 v62, v38;
	v38 =	vmov s28;
	v42 =	vld [tilespmem:s0+$0xFFFFFEB0]  }
0x108: {  	[tilespmem:v51+s21+$0x0] =	vst.idx.add.f32.msk $0xffff, v58;
	v40 =	vand.u32 $0xFFFFFFF7, v38  }
0x109: {  	v63 =	vadd.s32 v16, v23;
	v32 =	vld.idx.msk [tilespmem:v32+s17+$0x0], $0xffff;
	v43 =	vbroadcast v40, $0x0  }
0x10a: {  	v33 =	vmul.f32 $6.931471820e-01, v59;
	[tilespmem:v54+s21+$0x0] =	vst.idx.add.f32.msk $0xffff, v31;
	v39 =	vshrl.u32 v61, $0xC  }
0x10b: {  	[tilespmem:v57+s21+$0x0] =	vst.idx.add.f32.msk $0xffff, v62;
	v41 =	vand.u32 $0x7FF, v39  }
0x10c: {  	v26 =	vadd.f32 v33, v27;
	[tilespmem:v60+s21+$0x0] =	vst.idx.add.f32.msk $0xffff, v36;
	v37 =	vshrl.u32 v42, $0xC  }
0x10d: {  	v44 =	vld [tilespmem:s2+$0xFFFFFF10];
	v27 =	vand.u32 $0x7FF, v37  }
0x10e: {  	v46 =	vadd.s32 v13, v24;
	[tilespmem:v63+s21+$0x0] =	vst.idx.add.f32.msk $0xffff, v26  }
0x10f: {  	v47 =	vadd.s32 v5, v25;
	v48 =	vshra.s32 v61, $0x17;
	v28 =	vld.idx.msk [tilespmem:v43+s20+$0x0], $0xffff  }
0x110: {  	v49 =	vadd.s32 v6, v25;
	v35 =	vadd.s32 $0xFFFFFF81, v48;
	v26 =	vld.idx.msk [tilespmem:v41+s17+$0x0], $0xffff  }
0x111: {  	v50 =	vadd.s32 v7, v25;
	v45 =	vld [tilespmem:s2+$0xFFFFFEB0];
	v35 =	vcvt.s32.f32 v35  }
0x112: {  	v52 =	vadd.s32 v8, v25;
	v51 =	vmul.f32 v61, v44;
	v27 =	vld.idx.msk [tilespmem:v27+s17+$0x0], $0xffff  }
0x113: {  	v35 =	vmul.f32 $6.931471820e-01, v35;
	[tilespmem:v46+s21+$0x0] =	vst.idx.add.f32.msk $0xffff, v42  }
0x114: {  	v54 =	vadd.s32 v14, v24;
	v29 =	vmul.f32 v51, v44;
	[tilespmem:v47+s21+$0x0] =	vst.idx.add.f32.msk $0xffff, v61  }
0x115: {  	v55 =	vadd.s32 v15, v24;
	[tilespmem:v49+s21+$0x0] =	vst.idx.add.f32.msk $0xffff, v51;
	v35 =	vadd.f32 v35, v26;
	v26 =	vmul.u32 $0x110, v28  }
0x116: {  	v57 =	vmul.f32 v42, v45;
	[tilespmem:v50+s21+$0x0] =	vst.idx.add.f32.msk $0xffff, v29  }
0x117: {  	v58 =	vshra.s32 v34, $0x17;
	[tilespmem:v52+s21+$0x0] =	vst.idx.add.f32.msk $0xffff, v35;
	v59 =	vor.u32 v1, v26  }
0x118: {  	v30 =	vmul.f32 v57, v45;
	v35 =	vadd.s32 $0xFFFFFF81, v58;
	v60 =	vadd.s32 v2, v26;
	v31 =	vld [tilespmem:s0+$0xFFFFFF20]  }
0x119: {  	[tilespmem:v54+s21+$0x0] =	vst.idx.add.f32.msk $0xffff, v57;
	v63 =	vadd.s32 v3, v26;
	v62 =	vcvt.s32.f32 v35  }
0x11a: {  	v44 =	vmul.f32 v34, v56;
	v61 =	vshra.s32 v42, $0x17;
	[tilespmem:v55+s21+$0x0] =	vst.idx.add.f32.msk $0xffff, v30;
	v45 =	vadd.s32 v4, v26  }
0x11b: {  	v43 =	vadd.s32 $0xFFFFFF81, v61;
	v46 =	vld [tilespmem:s2+$0xFFFFFF20];
	v33 =	vmul.f32 $6.931471820e-01, v62  }
0x11c: {  	v36 =	vcvt.s32.f32 v43;
	v28 =	vmul.f32 v44, v56;
	[tilespmem:v59+s21+$0x0] =	vst.idx.add.f32.msk $0xffff, v34  }
0x11d: {  	v47 =	vadd.s32 v16, v24;
	v32 =	vadd.f32 v33, v32;
	v48 =	vshrl.u32 v31, $0xC;
	[tilespmem:v60+s21+$0x0] =	vst.idx.add.f32.msk $0xffff, v44  }
0x11e: {  	s26 =	sadd.s32 $0x18, s25;
	v49 =	vmul.f32 $6.931471820e-01, v36;
	v50 =	vand.u32 $0x7FF, v48;
	[tilespmem:v63+s21+$0x0] =	vst.idx.add.f32.msk $0xffff, v28  }
0x11f: {  	v53 =	vmov s26;
	[tilespmem:v45+s21+$0x0] =	vst.idx.add.f32.msk $0xffff, v32  }
0x120: {  	v51 =	vadd.s32 v9, v25;
	v27 =	vadd.f32 v49, v27;
	v32 =	vand.u32 $0xFFFFFFF8, v53;
	v30 =	vld [tilespmem:s0+$0xFFFFFF90]  }
0x121: {  	v34 =	vld [tilespmem:s0+$0x0];
	v32 =	vbroadcast v32, $0x0  }
0x122: {  	[tilespmem:v47+s21+$0x0] =	vst.idx.add.f32.msk $0xffff, v27;
	v54 =	vshra.s32 v31, $0x17  }
0x123: {  	v52 =	vadd.s32 v10, v25;
	v56 =	vmul.f32 v31, v46;
	v27 =	vadd.s32 $0xFFFFFF81, v54;
	v57 =	vld.idx.msk [tilespmem:v50+s17+$0x0], $0xffff  }
0x124: {  	v55 =	vadd.s32 v11, v25;
	v27 =	vcvt.s32.f32 v27;
	v62 =	vld [tilespmem:s2+$0xFFFFFF90]  }
0x125: {  	v59 =	vadd.s32 v12, v25;
	v58 =	vmul.f32 v56, v46;
	[tilespmem:v51+s21+$0x0] =	vst.idx.add.f32.msk $0xffff, v31;
	v60 =	vshrl.u32 v30, $0xC  }
0x126: {  	v27 =	vmul.f32 $6.931471820e-01, v27;
	v46 =	vshrl.u32 v34, $0xC;
	v51 =	vld [tilespmem:s2+$0x0];
	v61 =	vand.u32 $0x7FF, v60  }
0x127: {  	v36 =	vand.u32 $0x7FF, v46;
	v32 =	vld.idx.msk [tilespmem:v32+s20+$0x0], $0xffff  }
0x128: {  	[tilespmem:v52+s21+$0x0] =	vst.idx.add.f32.msk $0xffff, v56;
	v27 =	vadd.f32 v27, v57  }
0x129: {  	[tilespmem:v55+s21+$0x0] =	vst.idx.add.f32.msk $0xffff, v58  }
0x12a: {  	v63 =	vadd.s32 v5, v26;
	v44 =	vshra.s32 v30, $0x17;
	[tilespmem:v59+s21+$0x0] =	vst.idx.add.f32.msk $0xffff, v27  }
0x12b: {  	v45 =	vadd.s32 v6, v26;
	v27 =	vadd.s32 $0xFFFFFF81, v44;
	v29 =	vld.idx.msk [tilespmem:v61+s17+$0x0], $0xffff  }
0x12c: {  	v48 =	vadd.s32 v7, v26;
	v55 =	vld.idx.msk [tilespmem:v36+s17+$0x0], $0xffff;
	v47 =	vcvt.s32.f32 v27;
	v27 =	vmul.u32 $0x110, v32  }
0x12d: {  	v50 =	vadd.s32 v8, v26;
	v49 =	vmul.f32 v30, v62;
	v33 =	vld [tilespmem:s2+$0xFFFFFF30]  }
0x12e: {  	v37 =	vld [tilespmem:s0+$0xFFFFFF30];
	v38 =	vmul.f32 $6.931471820e-01, v47;
	v54 =	vor.u32 v1, v27  }
0x12f: {  	v52 =	vmul.f32 v49, v62;
	[tilespmem:v63+s21+$0x0] =	vst.idx.add.f32.msk $0xffff, v30  }
0x130: {  	v53 =	vshra.s32 v34, $0x17;
	[tilespmem:v45+s21+$0x0] =	vst.idx.add.f32.msk $0xffff, v49;
	v56 =	vadd.s32 v2, v27;
	v29 =	vadd.f32 v38, v29  }
0x131: {  	v59 =	vmul.f32 v34, v51;
	v30 =	vadd.s32 $0xFFFFFF81, v53;
	[tilespmem:v48+s21+$0x0] =	vst.idx.add.f32.msk $0xffff, v52  }
0x132: {  	s28 =	sadd.s32 $0x19, s25;
	v57 =	vcvt.s32.f32 v30;
	[tilespmem:v50+s21+$0x0] =	vst.idx.add.f32.msk $0xffff, v29  }
0x133: {  	v32 =	vmul.f32 v59, v51;
	v51 =	vmov s28;
	v58 =	vadd.s32 v3, v27;
	[tilespmem:v54+s21+$0x0] =	vst.idx.add.f32.msk $0xffff, v34  }
0x134: {  	v60 =	vadd.s32 v4, v27;
	v53 =	vand.u32 $0xFFFFFFF9, v51;
	v39 =	vld [tilespmem:s0+$0xFFFFFFA0]  }
0x135: {  	v28 =	vmul.f32 $6.931471820e-01, v57;
	v35 =	vbroadcast v53, $0x0;
	[tilespmem:v56+s21+$0x0] =	vst.idx.add.f32.msk $0xffff, v59  }
0x136: {  	v61 =	vshrl.u32 v37, $0xC;
	v44 =	vld [tilespmem:s2+$0xFFFFFFA0]  }
0x137: {  	v28 =	vadd.f32 v28, v55;
	v62 =	vand.u32 $0x7FF, v61;
	v59 =	vld [tilespmem:s0+$0x80]  }
0x138: {  	v63 =	vadd.s32 v13, v25;
	[tilespmem:v58+s21+$0x0] =	vst.idx.add.f32.msk $0xffff, v32  }
0x139: {  	[tilespmem:v60+s21+$0x0] =	vst.idx.add.f32.msk $0xffff, v28  }
0x13a: {  	v40 =	vadd.s32 v14, v25;
	v34 =	vld [tilespmem:s0+$0x10]  }
0x13b: {  	v41 =	vadd.s32 v15, v25;
	v35 =	vld.idx.msk [tilespmem:v35+s20+$0x0], $0xffff;
	v42 =	vshrl.u32 v39, $0xC  }
0x13c: {  	v43 =	vmul.f32 v37, v33;
	v31 =	vld.idx.msk [tilespmem:v62+s17+$0x0], $0xffff;
	v32 =	vand.u32 $0x7FF, v42  }
0x13d: {  	v45 =	vadd.s32 v9, v26;
	[tilespmem:v63+s21+$0x0] =	vst.idx.add.f32.msk $0xffff, v37  }
0x13e: {  	v46 =	vadd.s32 v10, v26;
	v33 =	vmul.f32 v43, v33;
	v54 =	vld [tilespmem:s2+$0x10]  }
0x13f: {  	[tilespmem:v40+s21+$0x0] =	vst.idx.add.f32.msk $0xffff, v43;
	v49 =	vshrl.u32 v34, $0xC  }
0x140: {  	[tilespmem:v41+s21+$0x0] =	vst.idx.add.f32.msk $0xffff, v33;
	v47 =	vshra.s32 v39, $0x17;
	v33 =	vand.u32 $0x7FF, v49  }
0x141: {  	v48 =	vadd.s32 v11, v26;
	v50 =	vmul.f32 v39, v44;
	v28 =	vadd.s32 $0xFFFFFF81, v47;
	v32 =	vld.idx.msk [tilespmem:v32+s17+$0x0], $0xffff  }
0x142: {  	v57 =	vadd.s32 v5, v27;
	v28 =	vcvt.s32.f32 v28;
	[tilespmem:v45+s21+$0x0] =	vst.idx.add.f32.msk $0xffff, v39  }
0x143: {  	v52 =	vadd.s32 v12, v26;
	[tilespmem:v46+s21+$0x0] =	vst.idx.add.f32.msk $0xffff, v50  }
0x144: {  	v36 =	vmul.f32 v50, v44;
	v55 =	vshra.s32 v34, $0x17;
	v28 =	vmul.f32 $6.931471820e-01, v28;
	v50 =	vld [tilespmem:s2+$0x80]  }
0x145: {  	v58 =	vadd.s32 v6, v27;
	v30 =	vadd.s32 $0xFFFFFF81, v55;
	v56 =	vld.idx.msk [tilespmem:v33+s17+$0x0], $0xffff  }
0x146: {  	v61 =	vadd.s32 v7, v27;
	v60 =	vcvt.s32.f32 v30;
	[tilespmem:v48+s21+$0x0] =	vst.idx.add.f32.msk $0xffff, v36;
	v28 =	vadd.f32 v28, v32  }
0x147: {  	v62 =	vshra.s32 v37, $0x17;
	v44 =	vadd.s32 v8, v27;
	v63 =	vmul.f32 v34, v54;
	[tilespmem:v57+s21+$0x0] =	vst.idx.add.f32.msk $0xffff, v34  }
0x148: {  	v30 =	vadd.s32 $0xFFFFFF81, v62;
	[tilespmem:v52+s21+$0x0] =	vst.idx.add.f32.msk $0xffff, v28;
	v28 =	vmul.f32 $6.931471820e-01, v60  }
0x149: {  	v38 =	vmul.f32 v63, v54;
	v30 =	vcvt.s32.f32 v30;
	v37 =	vld [tilespmem:s0+$0xFFFFFFB0]  }
0x14a: {  	v45 =	vadd.s32 v16, v25;
	v46 =	vshrl.u32 v59, $0xC;
	[tilespmem:v58+s21+$0x0] =	vst.idx.add.f32.msk $0xffff, v63;
	v28 =	vadd.f32 v28, v56  }
0x14b: {  	v30 =	vmul.f32 $6.931471820e-01, v30;
	v47 =	vand.u32 $0x7FF, v46;
	[tilespmem:v61+s21+$0x0] =	vst.idx.add.f32.msk $0xffff, v38  }
0x14c: {  	[tilespmem:v44+s21+$0x0] =	vst.idx.add.f32.msk $0xffff, v28;
	v28 =	vmul.u32 $0x110, v35  }
0x14d: {  	v30 =	vadd.f32 v30, v31;
	v38 =	vld [tilespmem:s0+$0x100]  }
0x14e: {  	v34 =	vld [tilespmem:s0+$0x20];
	v48 =	vshrl.u32 v37, $0xC;
	v52 =	vor.u32 v1, v28  }
0x14f: {  	v51 =	vshra.s32 v59, $0x17;
	[tilespmem:v45+s21+$0x0] =	vst.idx.add.f32.msk $0xffff, v30;
	v49 =	vand.u32 $0x7FF, v48  }
0x150: {  	v30 =	vadd.s32 $0xFFFFFF81, v51;
	v29 =	vld.idx.msk [tilespmem:v47+s17+$0x0], $0xffff;
	v35 =	vadd.s32 v2, v28  }
0x151: {  	v30 =	vcvt.s32.f32 v30;
	v53 =	vld [tilespmem:s2+$0xFFFFFFB0];
	v54 =	vadd.s32 v3, v28  }
0x152: {  	v55 =	vmul.f32 v59, v50;
	v57 =	vld [tilespmem:s2+$0x20];
	v56 =	vadd.s32 v4, v28  }
0x153: {  	v30 =	vmul.f32 $6.931471820e-01, v30;
	v58 =	vshrl.u32 v34, $0xC;
	[tilespmem:v52+s21+$0x0] =	vst.idx.add.f32.msk $0xffff, v59  }
0x154: {  	v32 =	vmul.f32 v55, v50;
	v43 =	vand.u32 $0x7FF, v58;
	v31 =	vld.idx.msk [tilespmem:v49+s17+$0x0], $0xffff  }
0x155: {  	v29 =	vadd.f32 v30, v29;
	v59 =	vadd.s32 v13, v26;
	[tilespmem:v35+s21+$0x0] =	vst.idx.add.f32.msk $0xffff, v55  }
0x156: {  	v44 =	vadd.s32 v9, v27;
	[tilespmem:v54+s21+$0x0] =	vst.idx.add.f32.msk $0xffff, v32  }
0x157: {  	[tilespmem:v56+s21+$0x0] =	vst.idx.add.f32.msk $0xffff, v29  }
0x158: {  	v60 =	vadd.s32 v14, v26;
	v39 =	vld [tilespmem:s0+$0x90]  }
0x159: {  	v46 =	vadd.s32 v10, v27;
	v61 =	vadd.s32 v15, v26;
	v45 =	vld.idx.msk [tilespmem:v43+s17+$0x0], $0xffff  }
0x15a: {  	v62 =	vmul.f32 v37, v53;
	v48 =	vadd.s32 v11, v27;
	v52 =	vshra.s32 v37, $0x17;
	[tilespmem:v59+s21+$0x0] =	vst.idx.add.f32.msk $0xffff, v37  }
0x15b: {  	v63 =	vshra.s32 v34, $0x17;
	v49 =	vmul.f32 v34, v57;
	v33 =	vadd.s32 $0xFFFFFF81, v52;
	[tilespmem:v44+s21+$0x0] =	vst.idx.add.f32.msk $0xffff, v34  }
0x15c: {  	v36 =	vmul.f32 v62, v53;
	v35 =	vadd.s32 $0xFFFFFF81, v63;
	v33 =	vcvt.s32.f32 v33;
	v44 =	vld [tilespmem:s0+$0x200]  }
0x15d: {  	v47 =	vcvt.s32.f32 v35;
	v53 =	vmul.f32 v49, v57;
	v57 =	vadd.s32 v16, v26;
	[tilespmem:v60+s21+$0x0] =	vst.idx.add.f32.msk $0xffff, v62  }
0x15e: {  	s26 =	sadd.s32 $0x1A, s25;
	v50 =	vadd.s32 v12, v27;
	v59 =	vmul.f32 $6.931471820e-01, v33;
	[tilespmem:v46+s21+$0x0] =	vst.idx.add.f32.msk $0xffff, v49  }
0x15f: {  	v56 =	vmov s26;
	v51 =	vmul.f32 $6.931471820e-01, v47;
	v60 =	vld [tilespmem:s2+$0x90];
	v54 =	vshrl.u32 v39, $0xC  }
0x160: {  	v58 =	vand.u32 $0xFFFFFFFA, v56;
	[tilespmem:v61+s21+$0x0] =	vst.idx.add.f32.msk $0xffff, v36;
	v31 =	vadd.f32 v59, v31;
	v55 =	vand.u32 $0x7FF, v54  }
0x161: {  	v30 =	vbroadcast v58, $0x0;
	[tilespmem:v48+s21+$0x0] =	vst.idx.add.f32.msk $0xffff, v53;
	v32 =	vadd.f32 v51, v45  }
0x162: {  	[tilespmem:v57+s21+$0x0] =	vst.idx.add.f32.msk $0xffff, v31  }
0x163: {  	[tilespmem:v50+s21+$0x0] =	vst.idx.add.f32.msk $0xffff, v32  }
0x164: {  	v62 =	vadd.s32 v5, v28;
	v61 =	vshra.s32 v39, $0x17;
	v34 =	vld [tilespmem:s0+$0x30]  }
0x165: {  	v63 =	vadd.s32 v6, v28;
	v32 =	vadd.s32 $0xFFFFFF81, v61;
	v29 =	vld.idx.msk [tilespmem:v55+s17+$0x0], $0xffff  }
0x166: {  	v46 =	vadd.s32 v7, v28;
	v54 =	vld [tilespmem:s2+$0x100];
	v45 =	vcvt.s32.f32 v32  }
0x167: {  	v48 =	vadd.s32 v8, v28;
	v47 =	vmul.f32 v39, v60;
	v30 =	vld.idx.msk [tilespmem:v30+s20+$0x0], $0xffff  }
0x168: {  	v35 =	vld [tilespmem:s2+$0x30];
	v31 =	vmul.f32 $6.931471820e-01, v45  }
0x169: {  	v51 =	vshrl.u32 v38, $0xC;
	v33 =	vmul.f32 v47, v60;
	[tilespmem:v62+s21+$0x0] =	vst.idx.add.f32.msk $0xffff, v39  }
0x16a: {  	[tilespmem:v63+s21+$0x0] =	vst.idx.add.f32.msk $0xffff, v47;
	v49 =	vshrl.u32 v34, $0xC;
	v29 =	vadd.f32 v31, v29;
	v31 =	vand.u32 $0x7FF, v51  }
0x16b: {  	[tilespmem:v46+s21+$0x0] =	vst.idx.add.f32.msk $0xffff, v33;
	v50 =	vand.u32 $0x7FF, v49  }
0x16c: {  	v52 =	vadd.s32 v13, v27;
	[tilespmem:v48+s21+$0x0] =	vst.idx.add.f32.msk $0xffff, v29;
	v29 =	vmul.u32 $0x110, v30  }
0x16d: {  	v53 =	vadd.s32 v14, v27;
	v37 =	vld [tilespmem:s0+$0xA0]  }
0x16e: {  	v55 =	vshra.s32 v38, $0x17;
	v63 =	vld [tilespmem:s2+$0xA0];
	v56 =	vor.u32 v1, v29  }
0x16f: {  	v39 =	vadd.s32 $0xFFFFFF81, v55;
	v58 =	vadd.s32 v2, v29;
	v31 =	vld.idx.msk [tilespmem:v31+s17+$0x0], $0xffff  }
0x170: {  	v59 =	vcvt.s32.f32 v39;
	v57 =	vmul.f32 v34, v35;
	v36 =	vld.idx.msk [tilespmem:v50+s17+$0x0], $0xffff;
	v60 =	vadd.s32 v3, v29  }
0x171: {  	v61 =	vmul.f32 v38, v54;
	[tilespmem:v52+s21+$0x0] =	vst.idx.add.f32.msk $0xffff, v34;
	v62 =	vadd.s32 v4, v29  }
0x172: {  	v32 =	vmul.f32 $6.931471820e-01, v59;
	[tilespmem:v53+s21+$0x0] =	vst.idx.add.f32.msk $0xffff, v57  }
0x173: {  	v30 =	vmul.f32 v61, v54;
	[tilespmem:v56+s21+$0x0] =	vst.idx.add.f32.msk $0xffff, v38  }
0x174: {  	v47 =	vadd.s32 v15, v27;
	v45 =	vshrl.u32 v37, $0xC;
	v31 =	vadd.f32 v32, v31;
	[tilespmem:v58+s21+$0x0] =	vst.idx.add.f32.msk $0xffff, v61  }
0x175: {  	s28 =	sadd.s32 $0x1B, s25;
	v45 =	vand.u32 $0x7FF, v45;
	[tilespmem:v60+s21+$0x0] =	vst.idx.add.f32.msk $0xffff, v30  }
0x176: {  	v55 =	vmov s28;
	v48 =	vadd.s32 v9, v28;
	v51 =	vshra.s32 v37, $0x17;
	[tilespmem:v62+s21+$0x0] =	vst.idx.add.f32.msk $0xffff, v31  }
0x177: {  	v50 =	vmul.f32 v57, v35;
	v57 =	vand.u32 $0xFFFFFFFB, v55;
	v33 =	vadd.s32 $0xFFFFFF81, v51;
	v39 =	vld [tilespmem:s0+$0x110]  }
0x178: {  	v49 =	vadd.s32 v10, v28;
	v35 =	vld [tilespmem:s0+$0x180];
	v56 =	vcvt.s32.f32 v33;
	v33 =	vbroadcast v57, $0x0  }
0x179: {  	[tilespmem:v47+s21+$0x0] =	vst.idx.add.f32.msk $0xffff, v50  }
0x17a: {  	v52 =	vadd.s32 v11, v28;
	v54 =	vld.idx.msk [tilespmem:v45+s17+$0x0], $0xffff  }
0x17b: {  	v53 =	vmul.f32 v37, v63;
	v61 =	vld [tilespmem:s2+$0x110]  }
0x17c: {  	v59 =	vadd.s32 v12, v28;
	[tilespmem:v48+s21+$0x0] =	vst.idx.add.f32.msk $0xffff, v37;
	v60 =	vshrl.u32 v39, $0xC  }
0x17d: {  	v58 =	vmul.f32 v53, v63;
	v31 =	vmul.f32 $6.931471820e-01, v56;
	[tilespmem:v49+s21+$0x0] =	vst.idx.add.f32.msk $0xffff, v53;
	v30 =	vand.u32 $0x7FF, v60  }
0x17e: {  	v63 =	vld.idx.msk [tilespmem:v33+s20+$0x0], $0xffff  }
0x17f: {  	v62 =	vadd.s32 v5, v29;
	[tilespmem:v52+s21+$0x0] =	vst.idx.add.f32.msk $0xffff, v58;
	v52 =	vshrl.u32 v35, $0xC;
	v31 =	vadd.f32 v31, v54  }
0x180: {  	v56 =	vld [tilespmem:s2+$0x180];
	v54 =	vand.u32 $0x7FF, v52  }
0x181: {  	v49 =	vadd.s32 v6, v29;
	v48 =	vshra.s32 v39, $0x17;
	[tilespmem:v59+s21+$0x0] =	vst.idx.add.f32.msk $0xffff, v31  }
0x182: {  	v51 =	vadd.s32 v7, v29;
	v33 =	vadd.s32 $0xFFFFFF81, v48;
	v50 =	vld.idx.msk [tilespmem:v30+s17+$0x0], $0xffff  }
0x183: {  	v53 =	vmul.f32 v39, v61;
	v33 =	vcvt.s32.f32 v33;
	v43 =	vld [tilespmem:s0+$0xB0];
	v30 =	vmul.u32 $0x110, v63  }
0x184: {  	v55 =	vadd.s32 v8, v29;
	[tilespmem:v62+s21+$0x0] =	vst.idx.add.f32.msk $0xffff, v39  }
0x185: {  	v37 =	vmul.f32 v53, v61;
	v33 =	vmul.f32 $6.931471820e-01, v33;
	v59 =	vld.idx.msk [tilespmem:v54+s17+$0x0], $0xffff;
	v58 =	vor.u32 v1, v30  }
0x186: {  	v57 =	vshra.s32 v35, $0x17;
	[tilespmem:v49+s21+$0x0] =	vst.idx.add.f32.msk $0xffff, v53  }
0x187: {  	[tilespmem:v51+s21+$0x0] =	vst.idx.add.f32.msk $0xffff, v37;
	v37 =	vadd.s32 $0xFFFFFF81, v57;
	v60 =	vadd.s32 v2, v30;
	v33 =	vadd.f32 v33, v50  }
0x188: {  	v38 =	vld [tilespmem:s2+$0xB0];
	v62 =	vadd.s32 v3, v30;
	v61 =	vcvt.s32.f32 v37  }
0x189: {  	v63 =	vmul.f32 v35, v56;
	v48 =	vadd.s32 v4, v30;
	v47 =	vshrl.u32 v43, $0xC;
	[tilespmem:v55+s21+$0x0] =	vst.idx.add.f32.msk $0xffff, v33  }
0x18a: {  	v34 =	vshra.s32 v34, $0x17;
	v31 =	vmul.f32 $6.931471820e-01, v61;
	v50 =	vand.u32 $0x7FF, v47;
	[tilespmem:v58+s21+$0x0] =	vst.idx.add.f32.msk $0xffff, v35  }
0x18b: {  	v34 =	vadd.s32 $0xFFFFFF81, v34;
	v32 =	vmul.f32 v63, v56;
	v51 =	vadd.s32 v13, v28;
	v37 =	vld [tilespmem:s0+$0x120]  }
0x18c: {  	v34 =	vcvt.s32.f32 v34;
	v31 =	vadd.f32 v31, v59;
	[tilespmem:v60+s21+$0x0] =	vst.idx.add.f32.msk $0xffff, v63  }
0x18d: {  	v46 =	vadd.s32 v16, v27;
	[tilespmem:v62+s21+$0x0] =	vst.idx.add.f32.msk $0xffff, v32  }
0x18e: {  	v34 =	vmul.f32 $6.931471820e-01, v34;
	[tilespmem:v48+s21+$0x0] =	vst.idx.add.f32.msk $0xffff, v31  }
0x18f: {  	v53 =	vadd.s32 v14, v28;
	v35 =	vld.idx.msk [tilespmem:v50+s17+$0x0], $0xffff  }
0x190: {  	s26 =	sadd.s32 $0x1C, s25;
	v52 =	vadd.f32 v34, v36;
	v36 =	vmul.f32 v43, v38;
	[tilespmem:v51+s21+$0x0] =	vst.idx.add.f32.msk $0xffff, v43;
	v43 =	vshra.s32 v43, $0x17  }
0x191: {  	v60 =	vmov s26;
	v34 =	vld [tilespmem:s0+$0x190];
	v43 =	vadd.s32 $0xFFFFFF81, v43  }
0x192: {  	[tilespmem:v46+s21+$0x0] =	vst.idx.add.f32.msk $0xffff, v52;
	v41 =	vand.u32 $0xFFFFFFFC, v60;
	v60 =	vcvt.s32.f32 v43;
	v54 =	vshrl.u32 v37, $0xC  }
0x193: {  	v49 =	vld [tilespmem:s2+$0x120];
	v55 =	vand.u32 $0x7FF, v54  }
0x194: {  	v56 =	vadd.s32 v9, v29;
	v48 =	vbroadcast v41, $0x0;
	[tilespmem:v53+s21+$0x0] =	vst.idx.add.f32.msk $0xffff, v36;
	v45 =	vmul.f32 $6.931471820e-01, v60  }
0x195: {  	v50 =	vld [tilespmem:s2+$0x190]  }
0x196: {  	v57 =	vadd.s32 v10, v29;
	v62 =	vshrl.u32 v34, $0xC;
	v35 =	vadd.f32 v45, v35;
	v45 =	vld [tilespmem:s0+$0x280]  }
0x197: {  	v61 =	vadd.s32 v11, v29;
	v63 =	vand.u32 $0x7FF, v62;
	v62 =	vld [tilespmem:s2+$0x200]  }
0x198: {  	v58 =	vmul.f32 v37, v49;
	v31 =	vld.idx.msk [tilespmem:v55+s17+$0x0], $0xffff  }
0x199: {  	v51 =	vadd.s32 v5, v30;
	v59 =	vshra.s32 v37, $0x17;
	[tilespmem:v56+s21+$0x0] =	vst.idx.add.f32.msk $0xffff, v37  }
0x19a: {  	v53 =	vadd.s32 v6, v30;
	v39 =	vadd.s32 $0xFFFFFF81, v59;
	v33 =	vmul.f32 v58, v49;
	v37 =	vld.idx.msk [tilespmem:v48+s20+$0x0], $0xffff  }
0x19b: {  	v39 =	vcvt.s32.f32 v39;
	v55 =	vadd.s32 v7, v30;
	[tilespmem:v57+s21+$0x0] =	vst.idx.add.f32.msk $0xffff, v58  }
0x19c: {  	v49 =	vadd.s32 v12, v29;
	v56 =	vmul.f32 v34, v50;
	v58 =	vshrl.u32 v44, $0xC;
	[tilespmem:v61+s21+$0x0] =	vst.idx.add.f32.msk $0xffff, v33  }
0x19d: {  	v52 =	vshra.s32 v34, $0x17;
	v39 =	vmul.f32 $6.931471820e-01, v39;
	v59 =	vand.u32 $0x7FF, v58;
	v32 =	vld.idx.msk [tilespmem:v63+s17+$0x0], $0xffff  }
0x19e: {  	v33 =	vadd.s32 $0xFFFFFF81, v52;
	v41 =	vmul.f32 v56, v50;
	v61 =	vadd.s32 v15, v28;
	[tilespmem:v51+s21+$0x0] =	vst.idx.add.f32.msk $0xffff, v34  }
0x19f: {  	v54 =	vcvt.s32.f32 v33;
	[tilespmem:v53+s21+$0x0] =	vst.idx.add.f32.msk $0xffff, v56;
	v31 =	vadd.f32 v39, v31  }
0x1a0: {  	v57 =	vadd.s32 v8, v30;
	[tilespmem:v55+s21+$0x0] =	vst.idx.add.f32.msk $0xffff, v41  }
0x1a1: {  	v36 =	vmul.f32 v36, v38;
	[tilespmem:v49+s21+$0x0] =	vst.idx.add.f32.msk $0xffff, v31;
	v31 =	vmul.f32 $6.931471820e-01, v54  }
0x1a2: {  	v63 =	vadd.s32 v16, v28;
	v34 =	vld.idx.msk [tilespmem:v59+s17+$0x0], $0xffff  }
0x1a3: {  	[tilespmem:v61+s21+$0x0] =	vst.idx.add.f32.msk $0xffff, v36;
	v32 =	vadd.f32 v31, v32;
	v31 =	vmul.u32 $0x110, v37  }
0x1a4: {  	v33 =	vld [tilespmem:s0+$0x130]  }
0x1a5: {  	v47 =	vshra.s32 v44, $0x17;
	[tilespmem:v57+s21+$0x0] =	vst.idx.add.f32.msk $0xffff, v32;
	v48 =	vor.u32 v1, v31  }
0x1a6: {  	v32 =	vadd.s32 $0xFFFFFF81, v47;
	v49 =	vadd.s32 v2, v31;
	v40 =	vld [tilespmem:s0+$0x1A0]  }
0x1a7: {  	[tilespmem:v63+s21+$0x0] =	vst.idx.add.f32.msk $0xffff, v35;
	v50 =	vadd.s32 v3, v31;
	v32 =	vcvt.s32.f32 v32  }
0x1a8: {  	v51 =	vmul.f32 v44, v62;
	v39 =	vld [tilespmem:s2+$0x130];
	v52 =	vadd.s32 v4, v31  }
0x1a9: {  	v59 =	vld [tilespmem:s2+$0x1A0];
	v54 =	vshrl.u32 v33, $0xC;
	v32 =	vmul.f32 $6.931471820e-01, v32  }
0x1aa: {  	v53 =	vmul.f32 v51, v62;
	v55 =	vand.u32 $0x7FF, v54;
	[tilespmem:v48+s21+$0x0] =	vst.idx.add.f32.msk $0xffff, v44  }
0x1ab: {  	v32 =	vadd.f32 v32, v34;
	[tilespmem:v49+s21+$0x0] =	vst.idx.add.f32.msk $0xffff, v51;
	v56 =	vshrl.u32 v40, $0xC  }
0x1ac: {  	[tilespmem:v50+s21+$0x0] =	vst.idx.add.f32.msk $0xffff, v53;
	v57 =	vand.u32 $0x7FF, v56  }
0x1ad: {  	s28 =	sadd.s32 $0x1D, s25;
	v60 =	vadd.s32 v9, v30;
	[tilespmem:v52+s21+$0x0] =	vst.idx.add.f32.msk $0xffff, v32  }
0x1ae: {  	v58 =	vmov s28;
	v62 =	vadd.s32 v10, v30;
	v36 =	vld [tilespmem:s0+$0x210]  }
0x1af: {  	v32 =	vand.u32 $0xFFFFFFFD, v58;
	v34 =	vld.idx.msk [tilespmem:v55+s17+$0x0], $0xffff  }
0x1b0: {  	v63 =	vadd.s32 v11, v30;
	v61 =	vshra.s32 v40, $0x17;
	v32 =	vbroadcast v32, $0x0;
	v53 =	vld [tilespmem:s2+$0x210]  }
0x1b1: {  	v49 =	vmul.f32 v40, v59;
	v41 =	vadd.s32 $0xFFFFFF81, v61;
	v35 =	vld.idx.msk [tilespmem:v57+s17+$0x0], $0xffff;
	v57 =	vshrl.u32 v45, $0xC  }
0x1b2: {  	v41 =	vcvt.s32.f32 v41;
	[tilespmem:v60+s21+$0x0] =	vst.idx.add.f32.msk $0xffff, v40;
	v43 =	vand.u32 $0x7FF, v57;
	v57 =	vadd.s32 v13, v29  }
0x1b3: {  	v52 =	vadd.s32 v12, v30;
	v37 =	vmul.f32 v49, v59;
	[tilespmem:v62+s21+$0x0] =	vst.idx.add.f32.msk $0xffff, v49;
	v48 =	vshrl.u32 v36, $0xC  }
0x1b4: {  	v51 =	vmul.f32 $6.931471820e-01, v41;
	v62 =	vld [tilespmem:s2+$0x280];
	v50 =	vand.u32 $0x7FF, v48  }
0x1b5: {  	v54 =	vadd.s32 v5, v31;
	[tilespmem:v63+s21+$0x0] =	vst.idx.add.f32.msk $0xffff, v37  }
0x1b6: {  	v55 =	vshra.s32 v36, $0x17;
	v32 =	vld.idx.msk [tilespmem:v32+s20+$0x0], $0xffff;
	v35 =	vadd.f32 v51, v35  }
0x1b7: {  	v37 =	vadd.s32 $0xFFFFFF81, v55;
	[tilespmem:v57+s21+$0x0] =	vst.idx.add.f32.msk $0xffff, v33  }
0x1b8: {  	v56 =	vadd.s32 v6, v31;
	v58 =	vcvt.s32.f32 v37;
	[tilespmem:v52+s21+$0x0] =	vst.idx.add.f32.msk $0xffff, v35  }
0x1b9: {  	v59 =	vadd.s32 v7, v31;
	v38 =	vld.idx.msk [tilespmem:v50+s17+$0x0], $0xffff  }
0x1ba: {  	v60 =	vmul.f32 v36, v53;
	v35 =	vmul.f32 $6.931471820e-01, v58;
	v58 =	vadd.s32 v14, v29;
	[tilespmem:v54+s21+$0x0] =	vst.idx.add.f32.msk $0xffff, v36  }
0x1bb: {  	v61 =	vadd.s32 v8, v31;
	v32 =	vmul.u32 $0x110, v32;
	v50 =	vld.idx.msk [tilespmem:v43+s17+$0x0], $0xffff  }
0x1bc: {  	v63 =	vmul.f32 v60, v53;
	v40 =	vld [tilespmem:s0+$0x1B0]  }
0x1bd: {  	v44 =	vshra.s32 v45, $0x17;
	[tilespmem:v56+s21+$0x0] =	vst.idx.add.f32.msk $0xffff, v60;
	v60 =	vmul.f32 v33, v39;
	v48 =	vor.u32 v1, v32  }
0x1be: {  	v49 =	vadd.s32 $0xFFFFFF81, v44;
	v51 =	vadd.s32 v2, v32;
	[tilespmem:v59+s21+$0x0] =	vst.idx.add.f32.msk $0xffff, v63;
	v35 =	vadd.f32 v35, v38  }
0x1bf: {  	v52 =	vcvt.s32.f32 v49;
	v53 =	vadd.s32 v3, v32;
	[tilespmem:v58+s21+$0x0] =	vst.idx.add.f32.msk $0xffff, v60  }
0x1c0: {  	v54 =	vmul.f32 v45, v62;
	v55 =	vadd.s32 v4, v32;
	[tilespmem:v61+s21+$0x0] =	vst.idx.add.f32.msk $0xffff, v35  }
0x1c1: {  	v36 =	vmul.f32 $6.931471820e-01, v52;
	v59 =	vadd.s32 v15, v29;
	v43 =	vld [tilespmem:s0+$0x220]  }
0x1c2: {  	v56 =	vmul.f32 v54, v62;
	[tilespmem:v48+s21+$0x0] =	vst.idx.add.f32.msk $0xffff, v45  }
0x1c3: {  	v36 =	vadd.f32 v36, v50;
	[tilespmem:v51+s21+$0x0] =	vst.idx.add.f32.msk $0xffff, v54  }
0x1c4: {  	v39 =	vmul.f32 v60, v39;
	[tilespmem:v53+s21+$0x0] =	vst.idx.add.f32.msk $0xffff, v56  }
0x1c5: {  	[tilespmem:v55+s21+$0x0] =	vst.idx.add.f32.msk $0xffff, v36;
	v55 =	vshrl.u32 v40, $0xC  }
0x1c6: {  	[tilespmem:v59+s21+$0x0] =	vst.idx.add.f32.msk $0xffff, v39;
	v44 =	vand.u32 $0x7FF, v55;
	v61 =	vshrl.u32 v43, $0xC  }
0x1c7: {  	v37 =	vld [tilespmem:s0+$0x290];
	v62 =	vand.u32 $0x7FF, v61  }
0x1c8: {  	v52 =	vadd.s32 v9, v31;
	v63 =	vld [tilespmem:s2+$0x220];
	v56 =	vshra.s32 v43, $0x17  }
0x1c9: {  	v39 =	vld [tilespmem:s2+$0x1B0];
	v45 =	vadd.s32 $0xFFFFFF81, v56;
	v56 =	vadd.s32 v13, v30  }
0x1ca: {  	v48 =	vld [tilespmem:s2+$0x290]  }
0x1cb: {  	v33 =	vshra.s32 v33, $0x17;
	v53 =	vadd.s32 v10, v31;
	v44 =	vld.idx.msk [tilespmem:v44+s17+$0x0], $0xffff  }
0x1cc: {  	v33 =	vadd.s32 $0xFFFFFF81, v33;
	v58 =	vadd.s32 v11, v31;
	v54 =	vshrl.u32 v37, $0xC;
	v41 =	vld.idx.msk [tilespmem:v62+s17+$0x0], $0xffff  }
0x1cd: {  	v33 =	vcvt.s32.f32 v33;
	v57 =	vmul.f32 v43, v63;
	v38 =	vand.u32 $0x7FF, v54;
	[tilespmem:v52+s21+$0x0] =	vst.idx.add.f32.msk $0xffff, v43  }
0x1ce: {  	v54 =	vadd.s32 v16, v29;
	[tilespmem:v56+s21+$0x0] =	vst.idx.add.f32.msk $0xffff, v40  }
0x1cf: {  	v33 =	vmul.f32 $6.931471820e-01, v33;
	v42 =	vmul.f32 v57, v63;
	v62 =	vadd.s32 v5, v32;
	v43 =	vld [tilespmem:s0+$0x380]  }
0x1d0: {  	v63 =	vadd.s32 v6, v32;
	[tilespmem:v53+s21+$0x0] =	vst.idx.add.f32.msk $0xffff, v57  }
0x1d1: {  	v33 =	vadd.f32 v33, v34;
	v45 =	vcvt.s32.f32 v45;
	v61 =	vshra.s32 v37, $0x17;
	[tilespmem:v58+s21+$0x0] =	vst.idx.add.f32.msk $0xffff, v42  }
0x1d2: {  	v59 =	vadd.s32 v12, v31;
	v50 =	vmul.f32 v37, v48;
	v36 =	vadd.s32 $0xFFFFFF81, v61;
	v38 =	vld.idx.msk [tilespmem:v38+s17+$0x0], $0xffff  }
0x1d3: {  	v60 =	vmul.f32 $6.931471820e-01, v45;
	v36 =	vcvt.s32.f32 v36;
	[tilespmem:v54+s21+$0x0] =	vst.idx.add.f32.msk $0xffff, v33  }
0x1d4: {  	v49 =	vadd.s32 v7, v32;
	v61 =	vmul.f32 v40, v39;
	[tilespmem:v62+s21+$0x0] =	vst.idx.add.f32.msk $0xffff, v37  }
0x1d5: {  	v51 =	vadd.s32 v8, v32;
	v52 =	vmul.f32 $6.931471820e-01, v36;
	v41 =	vadd.f32 v60, v41;
	[tilespmem:v63+s21+$0x0] =	vst.idx.add.f32.msk $0xffff, v50  }
0x1d6: {  	v55 =	vshra.s32 v40, $0x17;
	v53 =	vmul.f32 v50, v48;
	v50 =	vmul.f32 v61, v39;
	v39 =	vld [tilespmem:s0+$0x300]  }
0x1d7: {  	s26 =	sadd.s32 $0x1E, s25;
	v57 =	vadd.s32 $0xFFFFFF81, v55;
	v58 =	vadd.s32 v14, v30;
	v60 =	vadd.s32 v15, v30;
	[tilespmem:v59+s21+$0x0] =	vst.idx.add.f32.msk $0xffff, v41  }
0x1d8: {  	v63 =	vmov s26;
	v59 =	vcvt.s32.f32 v57;
	v35 =	vadd.f32 v52, v38;
	v45 =	vld [tilespmem:s0+$0x230]  }
0x1d9: {  	v62 =	vadd.s32 v16, v30;
	[tilespmem:v49+s21+$0x0] =	vst.idx.add.f32.msk $0xffff, v53;
	v49 =	vand.u32 $0xFFFFFFFE, v63  }
0x1da: {  	v34 =	vbroadcast v49, $0x0;
	v48 =	vmul.f32 $6.931471820e-01, v59;
	[tilespmem:v51+s21+$0x0] =	vst.idx.add.f32.msk $0xffff, v35  }
0x1db: {  	v36 =	vld [tilespmem:s0+$0x2A0]  }
0x1dc: {  	[tilespmem:v58+s21+$0x0] =	vst.idx.add.f32.msk $0xffff, v61;
	v33 =	vadd.f32 v48, v44  }
0x1dd: {  	[tilespmem:v60+s21+$0x0] =	vst.idx.add.f32.msk $0xffff, v50;
	v52 =	vshrl.u32 v45, $0xC  }
0x1de: {  	[tilespmem:v62+s21+$0x0] =	vst.idx.add.f32.msk $0xffff, v33;
	v33 =	vand.u32 $0x7FF, v52  }
0x1df: {  	v54 =	vadd.s32 v13, v31;
	v41 =	vld [tilespmem:s2+$0x230];
	v62 =	vshrl.u32 v39, $0xC  }
0x1e0: {  	v34 =	vld.idx.msk [tilespmem:v34+s20+$0x0], $0xffff;
	v50 =	vand.u32 $0x7FF, v62;
	v51 =	vshrl.u32 v36, $0xC  }
0x1e1: {  	v53 =	vld [tilespmem:s2+$0x2A0];
	v35 =	vand.u32 $0x7FF, v51  }
0x1e2: {  	v52 =	vld [tilespmem:s2+$0x300];
	v62 =	vadd.s32 v14, v31  }
0x1e3: {  	s28 =	sadd.s32 $0x1F, s25;
	v55 =	vadd.s32 v9, v32;
	v56 =	vshra.s32 v36, $0x17;
	v44 =	vld.idx.msk [tilespmem:v33+s17+$0x0], $0xffff  }
0x1e4: {  	v42 =	vadd.s32 $0xFFFFFF81, v56;
	v56 =	vmov s28;
	[tilespmem:v54+s21+$0x0] =	vst.idx.add.f32.msk $0xffff, v45  }
0x1e5: {  	v49 =	vmul.f32 v45, v41;
	v33 =	vmul.u32 $0x110, v34;
	v34 =	vld.idx.msk [tilespmem:v50+s17+$0x0], $0xffff  }
0x1e6: {  	v57 =	vadd.s32 v10, v32;
	v35 =	vld.idx.msk [tilespmem:v35+s17+$0x0], $0xffff  }
0x1e7: {  	v59 =	vadd.s32 v11, v32;
	v58 =	vcvt.s32.f32 v42;
	[tilespmem:v62+s21+$0x0] =	vst.idx.add.f32.msk $0xffff, v49  }
0x1e8: {  	v61 =	vadd.s32 v12, v32;
	v60 =	vmul.f32 v36, v53;
	[tilespmem:v55+s21+$0x0] =	vst.idx.add.f32.msk $0xffff, v36  }
0x1e9: {  	v63 =	vmul.f32 $6.931471820e-01, v58;
	v48 =	vld.idx.msk [tilespmem:v56+s20+$0x0], $0xffff  }
0x1ea: {  	v51 =	vmul.f32 v60, v53;
	v53 =	vor.u32 v1, v33;
	v56 =	vld [tilespmem:s2+$0x380]  }
0x1eb: {  	v54 =	vadd.s32 v2, v33;
	[tilespmem:v57+s21+$0x0] =	vst.idx.add.f32.msk $0xffff, v60;
	v35 =	vadd.f32 v63, v35  }
0x1ec: {  	v58 =	vadd.s32 v3, v33;
	v55 =	vshra.s32 v39, $0x17;
	[tilespmem:v59+s21+$0x0] =	vst.idx.add.f32.msk $0xffff, v51  }
0x1ed: {  	v57 =	vmul.f32 v39, v52;
	[tilespmem:v61+s21+$0x0] =	vst.idx.add.f32.msk $0xffff, v35;
	v35 =	vadd.s32 $0xFFFFFF81, v55  }
0x1ee: {  	v63 =	vadd.s32 v15, v31;
	v42 =	vld [tilespmem:s0+$0x2B0];
	v35 =	vcvt.s32.f32 v35  }
0x1ef: {  	v60 =	vshra.s32 v45, $0x17;
	v59 =	vadd.s32 v4, v33;
	v37 =	vmul.f32 v57, v52;
	[tilespmem:v53+s21+$0x0] =	vst.idx.add.f32.msk $0xffff, v39  }
0x1f0: {  	v53 =	vshrl.u32 v43, $0xC;
	[tilespmem:v54+s21+$0x0] =	vst.idx.add.f32.msk $0xffff, v57;
	v61 =	vadd.s32 $0xFFFFFF81, v60;
	v35 =	vmul.f32 $6.931471820e-01, v35  }
0x1f1: {  	v51 =	vmul.f32 v49, v41;
	v54 =	vand.u32 $0x7FF, v53;
	[tilespmem:v58+s21+$0x0] =	vst.idx.add.f32.msk $0xffff, v37;
	v36 =	vcvt.s32.f32 v61  }
0x1f2: {  	v50 =	vadd.s32 v16, v31;
	v41 =	vld [tilespmem:s2+$0x2B0];
	v34 =	vadd.f32 v35, v34  }
0x1f3: {  	v36 =	vmul.f32 $6.931471820e-01, v36;
	[tilespmem:v63+s21+$0x0] =	vst.idx.add.f32.msk $0xffff, v51;
	v52 =	vshrl.u32 v42, $0xC  }
0x1f4: {  	[tilespmem:v59+s21+$0x0] =	vst.idx.add.f32.msk $0xffff, v34;
	v37 =	vand.u32 $0x7FF, v52;
	v34 =	vmul.u32 $0x110, v48  }
0x1f5: {  	v55 =	vadd.s32 v13, v32;
	v36 =	vadd.f32 v36, v44;
	v38 =	vld [tilespmem:s0+$0x310]  }
0x1f6: {  	v35 =	vld.idx.msk [tilespmem:v54+s17+$0x0], $0xffff;
	v59 =	vshra.s32 v43, $0x17;
	v57 =	vor.u32 v1, v34  }
0x1f7: {  	[tilespmem:v50+s21+$0x0] =	vst.idx.add.f32.msk $0xffff, v36;
	v45 =	vadd.s32 $0xFFFFFF81, v59;
	v60 =	vadd.s32 v2, v34  }
0x1f8: {  	v53 =	vld [tilespmem:s2+$0x310];
	v61 =	vcvt.s32.f32 v45;
	v62 =	vadd.s32 v3, v34  }
0x1f9: {  	v63 =	vmul.f32 v43, v56;
	v52 =	vadd.s32 v4, v34;
	v37 =	vld.idx.msk [tilespmem:v37+s17+$0x0], $0xffff  }
0x1fa: {  	v36 =	vmul.f32 $6.931471820e-01, v61;
	[tilespmem:v55+s21+$0x0] =	vst.idx.add.f32.msk $0xffff, v42;
	v58 =	vshrl.u32 v38, $0xC  }
0x1fb: {  	v39 =	vmul.f32 v63, v56;
	v44 =	vand.u32 $0x7FF, v58;
	[tilespmem:v57+s21+$0x0] =	vst.idx.add.f32.msk $0xffff, v43  }
0x1fc: {  	v54 =	vadd.s32 v14, v32;
	v35 =	vadd.f32 v36, v35;
	[tilespmem:v60+s21+$0x0] =	vst.idx.add.f32.msk $0xffff, v63  }
0x1fd: {  	v55 =	vadd.s32 v15, v32;
	[tilespmem:v62+s21+$0x0] =	vst.idx.add.f32.msk $0xffff, v39  }
0x1fe: {  	v56 =	vmul.f32 v42, v41;
	[tilespmem:v52+s21+$0x0] =	vst.idx.add.f32.msk $0xffff, v35  }
0x1ff: {  	v59 =	vadd.s32 v6, v33;
	v57 =	vadd.s32 v5, v33;
	v58 =	vshra.s32 v38, $0x17;
	v62 =	vld [tilespmem:s0+$0x390]  }
0x200: {  	v60 =	vmul.f32 v56, v41;
	v63 =	vmul.f32 v38, v53;
	v39 =	vadd.s32 $0xFFFFFF81, v58;
	v44 =	vld.idx.msk [tilespmem:v44+s17+$0x0], $0xffff  }
0x201: {  	v61 =	vadd.s32 v7, v33;
	v42 =	vshra.s32 v42, $0x17;
	[tilespmem:v54+s21+$0x0] =	vst.idx.add.f32.msk $0xffff, v56;
	v39 =	vcvt.s32.f32 v39  }
0x202: {  	v48 =	vadd.s32 v8, v33;
	[tilespmem:v55+s21+$0x0] =	vst.idx.add.f32.msk $0xffff, v60;
	v35 =	vadd.s32 $0xFFFFFF81, v42;
	v49 =	vmul.f32 v63, v53  }
0x203: {  	v35 =	vcvt.s32.f32 v35;
	v53 =	vld [tilespmem:s2+$0x390];
	v39 =	vmul.f32 $6.931471820e-01, v39  }
0x204: {  	v50 =	vadd.s32 v16, v32;
	[tilespmem:v57+s21+$0x0] =	vst.idx.add.f32.msk $0xffff, v38;
	v51 =	vshrl.u32 v62, $0xC  }
0x205: {  	[tilespmem:v59+s21+$0x0] =	vst.idx.add.f32.msk $0xffff, v63;
	v19 =	vmul.f32 $6.931471820e-01, v35;
	v39 =	vadd.f32 v39, v44;
	v52 =	vand.u32 $0x7FF, v51  }
0x206: {  	v20 =	vadd.s32 v17, v20;
	[tilespmem:v61+s21+$0x0] =	vst.idx.add.f32.msk $0xffff, v49  }
0x207: {  	v21 =	vadd.s32 v17, v21;
	v19 =	vadd.f32 v19, v37;
	[tilespmem:v48+s21+$0x0] =	vst.idx.add.f32.msk $0xffff, v39  }
0x208: {  	v39 =	vld [tilespmem:s0+$0x320]  }
0x209: {  	v54 =	vadd.s32 v5, v34;
	[tilespmem:v50+s21+$0x0] =	vst.idx.add.f32.msk $0xffff, v19;
	v19 =	vshra.s32 v62, $0x17  }
0x20a: {  	v55 =	vadd.s32 v6, v34;
	v19 =	vadd.s32 $0xFFFFFF81, v19;
	v35 =	vld.idx.msk [tilespmem:v52+s17+$0x0], $0xffff  }
0x20b: {  	[tilespmem:v20+s21+$0x0] =	vst.idx.add.f32.msk $0xffff, v18;
	v20 =	vadd.s32 v7, v34;
	v19 =	vcvt.s32.f32 v19  }
0x20c: {  	[tilespmem:v21+s21+$0x0] =	vst.idx.add.f32.msk $0xffff, v18;
	v57 =	vadd.s32 v8, v34;
	v56 =	vmul.f32 v62, v53  }
0x20d: {  	v59 =	vld [tilespmem:s2+$0x320];
	v19 =	vmul.f32 $6.931471820e-01, v19;
	v58 =	vshrl.u32 v39, $0xC  }
0x20e: {  	v36 =	vmul.f32 v56, v53;
	[tilespmem:v54+s21+$0x0] =	vst.idx.add.f32.msk $0xffff, v62;
	v21 =	vand.u32 $0x7FF, v58  }
0x20f: {  	v22 =	vadd.s32 v17, v22;
	[tilespmem:v55+s21+$0x0] =	vst.idx.add.f32.msk $0xffff, v56;
	v19 =	vadd.f32 v19, v35  }
0x210: {  	v60 =	vadd.s32 v9, v33;
	[tilespmem:v20+s21+$0x0] =	vst.idx.add.f32.msk $0xffff, v36  }
0x211: {  	v20 =	vadd.s32 v10, v33;
	[tilespmem:v57+s21+$0x0] =	vst.idx.add.f32.msk $0xffff, v19  }
0x212: {  	v61 =	vshra.s32 v39, $0x17;
	v19 =	vadd.s32 v17, v23;
	v36 =	vld [tilespmem:s0+$0x3A0]  }
0x213: {  	v62 =	vadd.s32 v11, v33;
	v23 =	vadd.s32 $0xFFFFFF81, v61;
	v21 =	vld.idx.msk [tilespmem:v21+s17+$0x0], $0xffff  }
0x214: {  	[tilespmem:v22+s21+$0x0] =	vst.idx.add.f32.msk $0xffff, v18;
	v63 =	vmul.f32 v39, v59;
	v23 =	vcvt.s32.f32 v23  }
0x215: {  	[tilespmem:v60+s21+$0x0] =	vst.idx.add.f32.msk $0xffff, v39;
	v39 =	vadd.s32 v12, v33  }
0x216: {  	[tilespmem:v20+s21+$0x0] =	vst.idx.add.f32.msk $0xffff, v63;
	v20 =	vmul.f32 v63, v59;
	v23 =	vmul.f32 $6.931471820e-01, v23  }
0x217: {  	[tilespmem:v19+s21+$0x0] =	vst.idx.add.f32.msk $0xffff, v18;
	v19 =	vadd.s32 v17, v24;
	v40 =	vshrl.u32 v36, $0xC  }
0x218: {  	[tilespmem:v62+s21+$0x0] =	vst.idx.add.f32.msk $0xffff, v20;
	v21 =	vadd.f32 v23, v21;
	v20 =	vand.u32 $0x7FF, v40  }
0x219: {  	v25 =	vadd.s32 v17, v25;
	v41 =	vld [tilespmem:s2+$0x3A0]  }
0x21a: {  	v26 =	vadd.s32 v17, v26;
	[tilespmem:v39+s21+$0x0] =	vst.idx.add.f32.msk $0xffff, v21  }
0x21b: {  	v21 =	vld [tilespmem:s0+$0x330]  }
0x21c: {  	v42 =	vadd.s32 v9, v34;
	[tilespmem:v19+s21+$0x0] =	vst.idx.add.f32.msk $0xffff, v18;
	v19 =	vshra.s32 v36, $0x17  }
0x21d: {  	v43 =	vadd.s32 v10, v34;
	v19 =	vadd.s32 $0xFFFFFF81, v19;
	v20 =	vld.idx.msk [tilespmem:v20+s17+$0x0], $0xffff  }
0x21e: {  	[tilespmem:v25+s21+$0x0] =	vst.idx.add.f32.msk $0xffff, v18;
	v45 =	vadd.s32 v11, v34;
	v19 =	vcvt.s32.f32 v19  }
0x21f: {  	[tilespmem:v26+s21+$0x0] =	vst.idx.add.f32.msk $0xffff, v18;
	v46 =	vadd.s32 v12, v34;
	v44 =	vmul.f32 v36, v41  }
0x220: {  	v48 =	vld [tilespmem:s2+$0x330];
	v19 =	vmul.f32 $6.931471820e-01, v19;
	v47 =	vshrl.u32 v21, $0xC  }
0x221: {  	v23 =	vmul.f32 v44, v41;
	[tilespmem:v42+s21+$0x0] =	vst.idx.add.f32.msk $0xffff, v36;
	v22 =	vand.u32 $0x7FF, v47  }
0x222: {  	[tilespmem:v43+s21+$0x0] =	vst.idx.add.f32.msk $0xffff, v44;
	v19 =	vadd.f32 v19, v20;
	v20 =	vadd.s32 v13, v33  }
0x223: {  	v50 =	vadd.s32 v17, v27;
	[tilespmem:v45+s21+$0x0] =	vst.idx.add.f32.msk $0xffff, v23  }
0x224: {  	v49 =	vadd.s32 v14, v33;
	[tilespmem:v46+s21+$0x0] =	vst.idx.add.f32.msk $0xffff, v19  }
0x225: {  	v19 =	vadd.s32 v15, v33;
	v25 =	vld [tilespmem:s0+$0x3B0]  }
0x226: {  	v51 =	vadd.s32 v17, v28;
	v52 =	vmul.f32 v21, v48;
	v22 =	vld.idx.msk [tilespmem:v22+s17+$0x0], $0xffff  }
0x227: {  	[tilespmem:v20+s21+$0x0] =	vst.idx.add.f32.msk $0xffff, v21;
	v20 =	vadd.s32 v17, v29;
	v21 =	vshra.s32 v21, $0x17  }
0x228: {  	[tilespmem:v50+s21+$0x0] =	vst.idx.add.f32.msk $0xffff, v18;
	v53 =	vmul.f32 v52, v48;
	v21 =	vadd.s32 $0xFFFFFF81, v21  }
0x229: {  	v54 =	vadd.s32 v17, v30;
	[tilespmem:v49+s21+$0x0] =	vst.idx.add.f32.msk $0xffff, v52;
	v21 =	vcvt.s32.f32 v21  }
0x22a: {  	[tilespmem:v19+s21+$0x0] =	vst.idx.add.f32.msk $0xffff, v53;
	v19 =	vadd.s32 v16, v33;
	v55 =	vshrl.u32 v25, $0xC  }
0x22b: {  	[tilespmem:v51+s21+$0x0] =	vst.idx.add.f32.msk $0xffff, v18;
	v21 =	vmul.f32 $6.931471820e-01, v21;
	v23 =	vand.u32 $0x7FF, v55  }
0x22c: {  	[tilespmem:v20+s21+$0x0] =	vst.idx.add.f32.msk $0xffff, v18;
	v20 =	vadd.s32 v17, v31  }
0x22d: {  	v57 =	vadd.s32 v13, v34;
	v56 =	vld [tilespmem:s2+$0x3B0];
	v21 =	vadd.f32 v21, v22  }
0x22e: {  	v58 =	vadd.s32 v17, v32;
	[tilespmem:v54+s21+$0x0] =	vst.idx.add.f32.msk $0xffff, v18  }
0x22f: {  	v60 =	vadd.s32 v17, v33;
	[tilespmem:v19+s21+$0x0] =	vst.idx.add.f32.msk $0xffff, v21;
	v19 =	vshra.s32 v25, $0x17  }
0x230: {  	v59 =	vadd.s32 v14, v34;
	v19 =	vadd.s32 $0xFFFFFF81, v19;
	v23 =	vld.idx.msk [tilespmem:v23+s17+$0x0], $0xffff  }
0x231: {  	[tilespmem:v20+s21+$0x0] =	vst.idx.add.f32.msk $0xffff, v18;
	v19 =	vcvt.s32.f32 v19;
	v20 =	vadd.s32 v15, v34  }
0x232: {  	s24 =	sadd.s32 $0x10, s24;
	v61 =	vadd.s32 v16, v34;
	[tilespmem:v57+s21+$0x0] =	vst.idx.add.f32.msk $0xffff, v25;
	v25 =	vmul.f32 v25, v56  }
0x233: {  	p2 =	slt.u32 s24, $0x70;
	[tilespmem:v58+s21+$0x0] =	vst.idx.add.f32.msk $0xffff, v18;
	v62 =	vadd.s32 v17, v34;
	v19 =	vmul.f32 $6.931471820e-01, v19  }
.Ltmp3:
0x234: {  	[tilespmem:v60+s21+$0x0] =	vst.idx.add.f32.msk $0xffff, v18;
	v63 =	vmul.f32 v25, v56;
	(pc) =	sbr.rel @p2 .LBB2_5-.Ltmp3, $4  }
0x235: {  	[tilespmem:v59+s21+$0x0] =	vst.idx.add.f32.msk $0xffff, v25;
	v19 =	vadd.f32 v19, v23  }
0x236: {  	[tilespmem:v20+s21+$0x0] =	vst.idx.add.f32.msk $0xffff, v63  }
0x237: {  	[tilespmem:v61+s21+$0x0] =	vst.idx.add.f32.msk $0xffff, v19  }
0x238: {  	s0 =	sadd.s32 $0x800, s0;
	s2 =	sadd.s32 $0x800, s2;
	[tilespmem:v62+s21+$0x0] =	vst.idx.add.f32.msk $0xffff, v18  }
0x239: {  	s30 =	sadd.s32 $0x1, s30  }
0x23a: {  	p2 =	sne.s32 s30, $0x10  }
.Ltmp4:
0x23b: {  	_ = 	snop;
	(pc) =	sbr.rel @p2 .LBB2_4-.Ltmp4, $2  }
0x23c: {  	_ =	sdelay $0x2  }
0x23d: {  	p1 =	por !p1, !p1  }
.Ltmp5:
0x23e: {  	(pc) =	sbr.rel @!p0 .LBB2_8-.Ltmp5, $1  }
0x23f: {  	_ =	sdelay $0x3  }
0x240: {  	[bflag:$0x0] =	sbarrier.arrive $0xFFFF;
	s0 =	simm.s32 $0x14500  }
0x241: {  	[tilespmem:s0], [sflag:$0x3] =	stream.strided.gather [spmem:s11], $0x4400, s23, s22, $0x38;
	[tilespmem:$0x1F380] =	vst v63  }
0x242: {  	_ =	swait.ge [sflag:s18], $0x4400  }
0x243: {  	[sflag:s18] =	ssyncset.done $0x0  }
0x244: {  	s0 =	simm.s32 $0x14590;
	[sflag:s18] =	ssyncadd.s32 $0xFFFFBC00  }
0x245: {  	s24 =	simm.s32 $0x10190;
	v19 =	vld [tilespmem:s0+$0xFFFFFF70]  }
0x246: {  	v20 =	vld [tilespmem:s24+$0xFFFFFF70];
	_ =	sdelay $0x4  }
0x247: {  	v19 =	vadd.f32 v19, v20;
	_ =	sdelay $0x1  }
0x248: {  	(erf) = vrcp.f32 v19;
	_ =	sdelay $0x1  }
0x249: {  	v21 =	vld [tilespmem:s24+$0xFFFFFFB0]  }
0x24a: {  	v20 =	vld [tilespmem:s0+$0xFFFFFFB0];
	_ =	sdelay $0x2  }
0x24b: {  	s2 =	simm.s32 $0x0;
	v23 =	vld [tilespmem:s0+$0x30];
	v22 =	vshrl.u32 v19, $0xC  }
0x24c: {  	s19 =	sand.u32 $0x7FF0, s2;
	v24 =	vld [tilespmem:s24+$0x30];
	v22 =	vand.u32 $0x7FF, v22  }
0x24d: {  	v25 =	vld [tilespmem:s19+$0x14580];
	v20 =	vadd.f32 v20, v21  }
0x24e: {  	v26 =	vld [tilespmem:s19+$0x14600];
	v27 =	vpop (erf)  }
0x24f: {  	v28 =	vld [tilespmem:s19+$0x10200];
	v20 =	vmul.f32 v20, v27  }
0x250: {  	s25 =	simm.s32 $0x19120;
	v21 =	vld [tilespmem:s19+$0x10180]  }
0x251: {  	s26 =	simm.s32 $0x1B120;
	v22 =	vld.idx.msk [tilespmem:v22+s17+$0x0], $0xffff;
	[tilespmem:s25+$0xFFFFFFE0] =	vst v20  }
0x252: {  	[tilespmem:s26+$0xFFFFFFE0] =	vst v19  }
0x253: {  	v58 =	vld [tilespmem:s24+$0xFFFFFF80]  }
0x254: {  	v29 =	vld [tilespmem:s0+$0xFFFFFF80];
	_ =	sdelay $0x4  }
0x255: {  	v27 =	vadd.f32 v29, v58;
	_ =	sdelay $0x1  }
0x256: {  	(erf) = vrcp.f32 v27;
	_ =	sdelay $0x1  }
0x257: {  	v59 =	vld [tilespmem:s0+$0xFFFFFFC0]  }
0x258: {  	v30 =	vld [tilespmem:s24+$0xFFFFFFC0];
	_ =	sdelay $0x2  }
0x259: {  	v31 =	vshrl.u32 v27, $0xC  }
0x25a: {  	v31 =	vand.u32 $0x7FF, v31  }
0x25b: {  	v32 =	vld [tilespmem:s0+$0x40];
	v29 =	vadd.f32 v59, v30  }
0x25c: {  	v60 =	vld [tilespmem:s24+$0x40];
	v34 =	vpop (erf)  }
0x25d: {  	v33 =	vld [tilespmem:s0+$0x0];
	v29 =	vmul.f32 v29, v34  }
0x25e: {  	v35 =	vld [tilespmem:s24+$0x0]  }
0x25f: {  	v31 =	vld.idx.msk [tilespmem:v31+s17+$0x0], $0xffff;
	[tilespmem:s25+$0xFFFFFFF0] =	vst v29  }
0x260: {  	[tilespmem:s26+$0xFFFFFFF0] =	vst v27  }
0x261: {  	v61 =	vld [tilespmem:s24+$0xFFFFFF90]  }
0x262: {  	v36 =	vld [tilespmem:s0+$0xFFFFFF90];
	_ =	sdelay $0x4  }
0x263: {  	v34 =	vadd.f32 v36, v61;
	_ =	sdelay $0x1  }
0x264: {  	(erf) = vrcp.f32 v34;
	_ =	sdelay $0x1  }
0x265: {  	v62 =	vld [tilespmem:s24+$0xFFFFFFD0]  }
0x266: {  	v37 =	vld [tilespmem:s0+$0xFFFFFFD0];
	_ =	sdelay $0x2  }
0x267: {  	v38 =	vshrl.u32 v34, $0xC  }
0x268: {  	v38 =	vand.u32 $0x7FF, v38  }
0x269: {  	v39 =	vld [tilespmem:s24+$0x10];
	v36 =	vadd.f32 v37, v62  }
0x26a: {  	v40 =	vld [tilespmem:s0+$0x10];
	v41 =	vpop (erf)  }
0x26b: {  	v63 =	vld [tilespmem:s24+$0x50];
	v36 =	vmul.f32 v36, v41  }
0x26c: {  	v42 =	vld [tilespmem:s0+$0x50]  }
0x26d: {  	v38 =	vld.idx.msk [tilespmem:v38+s17+$0x0], $0xffff;
	[tilespmem:s25+$0x0] =	vst v36  }
0x26e: {  	[tilespmem:s26+$0x0] =	vst v34  }
0x26f: {  	v45 =	vshra.s32 v19, $0x17;
	v43 =	vld [tilespmem:s24+$0xFFFFFFA0]  }
0x270: {  	v41 =	vadd.s32 $0xFFFFFF81, v45;
	v44 =	vld [tilespmem:s0+$0xFFFFFFA0]  }
0x271: {  	v41 =	vcvt.s32.f32 v41  }
0x272: {  	v19 =	vmul.f32 v20, v19;
	v45 =	vshra.s32 v27, $0x17  }
0x273: {  	v23 =	vadd.f32 v23, v24;
	v45 =	vadd.s32 $0xFFFFFF81, v45;
	v41 =	vmul.f32 $6.931471820e-01, v41  }
0x274: {  	v21 =	vadd.f32 v25, v21;
	v19 =	vmul.f32 v19, v20;
	v46 =	vcvt.s32.f32 v45  }
0x275: {  	v20 =	vadd.f32 v22, v41;
	v22 =	vadd.f32 v44, v43  }
0x276: {  	v19 =	vsub.f32 v19, v21;
	v21 =	vmul.f32 v29, v27;
	v24 =	vmul.f32 $6.931471820e-01, v46  }
0x277: {  	v26 =	vadd.f32 v26, v28;
	(erf) = vrcp.f32 v22  }
0x278: {  	v47 =	vadd.f32 v33, v35;
	v21 =	vmul.f32 v21, v29;
	v48 =	vld [tilespmem:s24+$0xFFFFFFE0];
	v24 =	vadd.f32 v31, v24  }
0x279: {  	v50 =	vld [tilespmem:s0+$0xFFFFFFE0];
	v20 =	vsub.f32 v23, v20;
	v23 =	vadd.f32 v32, v60  }
0x27a: {  	v26 =	vmax.f32 v26, $1.000000000e+00;
	v21 =	vsub.f32 v21, v47;
	v51 =	vshrl.u32 v22, $0xC  }
0x27b: {  	v26 =	vsub.f32 $1.000000000e+00, v26;
	v23 =	vsub.f32 v23, v24;
	v29 =	vand.u32 $0x7FF, v51  }
0x27c: {  	v19 =	vmul.f32 $5.000000000e-01, v19;
	v21 =	vmul.f32 $5.000000000e-01, v21;
	v49 =	vshra.s32 v34, $0x17;
	v52 =	vld [tilespmem:s24+$0x20]  }
0x27d: {  	v25 =	vadd.s32 $0xFFFFFF81, v49;
	v53 =	vld [tilespmem:s0+$0x20];
	v20 =	vmul.f32 $5.000000000e-01, v20;
	v23 =	vmul.f32 $5.000000000e-01, v23  }
0x27e: {  	v25 =	vcvt.s32.f32 v25;
	v57 =	vmul.f32 v36, v34;
	v55 =	vld [tilespmem:s0+$0x60];
	v24 =	vadd.f32 v50, v48  }
0x27f: {  	v19 =	vadd.f32 v20, v19;
	v56 =	vshra.s32 v22, $0x17;
	v20 =	vadd.f32 v23, v21;
	v23 =	vld [tilespmem:s24+$0x60]  }
0x280: {  	v32 =	vmul.f32 v57, v36;
	v27 =	vadd.s32 $0xFFFFFF81, v56;
	v21 =	vmul.f32 $6.931471820e-01, v25;
	v29 =	vld.idx.msk [tilespmem:v29+s17+$0x0], $0xffff;
	v58 =	vpop (erf)  }
0x281: {  	v59 =	vadd.f32 v40, v39;
	v27 =	vcvt.s32.f32 v27;
	v24 =	vmul.f32 v24, v58  }
0x282: {  	v54 =	vadd.f32 v42, v63;
	v21 =	vadd.f32 v38, v21  }
0x283: {  	v32 =	vsub.f32 v32, v59;
	v60 =	vmul.f32 $6.931471820e-01, v27;
	v61 =	vmul.f32 v24, v22  }
0x284: {  	v26 =	vmul.f32 $5.881206510e+01, v26;
	v28 =	vadd.f32 v53, v52;
	v21 =	vsub.f32 v54, v21  }
0x285: {  	v23 =	vadd.f32 v55, v23;
	v25 =	vadd.f32 v29, v60;
	v27 =	vmul.f32 v61, v24  }
0x286: {  	v62 =	vmul.f32 $5.000000000e-01, v32;
	v19 =	vadd.f32 v19, v26  }
0x287: {  	v21 =	vmul.f32 $5.000000000e-01, v21;
	v23 =	vsub.f32 v23, v25;
	v63 =	vsub.f32 v27, v28  }
0x288: {  	v19 =	vadd.f32 v20, v19  }
0x289: {  	v21 =	vadd.f32 v21, v62;
	v20 =	vmul.f32 $5.000000000e-01, v23;
	v23 =	vmul.f32 $5.000000000e-01, v63;
	_ =	sdelay $0x1  }
0x28a: {  	v19 =	vadd.f32 v21, v19;
	v20 =	vadd.f32 v20, v23;
	_ =	sdelay $0x1  }
0x28b: {  	v19 =	vadd.f32 v20, v19;
	_ =	sdelay $0x1  }
0x28c: {  	(xrf2) =	vadd.scan.msk.f32 $0xffff, v19;
	_ =	sdelay $0x5  }
0x28d: {  	s19 =	sand.u32 $0xF, s2  }
0x28e: {  	v20 =	vmov s19  }
0x28f: {  	s30 =	simm.s32 $0x102A0  }
0x290: {  	s31 =	simm.s32 $0x1B1A0;
	s28 =	sand.u32 $0xC0, s2;
	s24 =	simm.s32 $0x1;
	[tilespmem:s25+$0x10] =	vst v24  }
0x291: {  	s25 =	simm.s32 $0x191A0;
	[tilespmem:s26+$0x10] =	vst v22;
	s26 =	simm.s32 $0x0;
	s19 =	sshrl.u32 s28, $0x2;
	vm0 =	veq.s32 v20, v1;
	v19 =	vimm.f32 $0.0e+00;
	v20, _, _ =	vpop (xrf2)  }
.LBB2_10:
0x292: {  	v20 =	vbroadcast v20, $0xF;
	s2 =	sadd.s32 $0x4, s2;
	s26 =	sadd.s32 $0x110, s26;
	s0 =	sadd.s32 $0x110, s0  }
0x293: {  	p1 =	sne.s32 s24, $0x3F;
	s28 =	smov.u32 s24;
	s24 =	sadd.s32 $0x1, s24  }
0x294: {  	v19 =	vsel vm0, v20, v19  }
0x295: {  	[tilespmem:s19+$0x1D100] =	vst v19  }
0x296: {  	v20 =	vld [tilespmem:s0+$0xFFFFFF70]  }
0x297: {  	v21 =	vld [tilespmem:s30+$0xFFFFFF70];
	_ =	sdelay $0x4  }
0x298: {  	v20 =	vadd.f32 v20, v21;
	_ =	sdelay $0x1  }
0x299: {  	v21 =	vshra.s32 v20, $0x17;
	v22 =	vshrl.u32 v20, $0xC;
	(erf) = vrcp.f32 v20  }
0x29a: {  	v21 =	vadd.s32 $0xFFFFFF81, v21;
	v22 =	vand.u32 $0x7FF, v22  }
0x29b: {  	v23 =	vld [tilespmem:s0+$0xFFFFFFB0];
	v21 =	vcvt.s32.f32 v21  }
0x29c: {  	v24 =	vld [tilespmem:s30+$0xFFFFFFB0];
	_ =	sdelay $0x1  }
0x29d: {  	v25 =	vld [tilespmem:s0+$0x30]  }
0x29e: {  	s19 =	sand.u32 $0x7FF0, s26;
	v26 =	vld [tilespmem:s30+$0x30]  }
0x29f: {  	v27 =	vld [tilespmem:s19+$0x14580]  }
0x2a0: {  	v23 =	vadd.f32 v23, v24;
	v24 =	vld [tilespmem:s19+$0x10180]  }
0x2a1: {  	v28 =	vld [tilespmem:s19+$0x14600];
	v29 =	vpop (erf)  }
0x2a2: {  	v30 =	vld [tilespmem:s19+$0x10200];
	v23 =	vmul.f32 v23, v29  }
0x2a3: {  	v25 =	vadd.f32 v25, v26;
	v22 =	vld.idx.msk [tilespmem:v22+s17+$0x0], $0xffff  }
0x2a4: {  	v26 =	vmul.f32 v23, v20;
	[tilespmem:s25+$0xFFFFFFE0] =	vst v23  }
0x2a5: {  	v24 =	vadd.f32 v27, v24;
	[tilespmem:s31+$0xFFFFFFE0] =	vst v20  }
0x2a6: {  	v20 =	vmul.f32 v26, v23;
	v23 =	vld [tilespmem:s30+$0xFFFFFF80]  }
0x2a7: {  	v21 =	vmul.f32 $6.931471820e-01, v21;
	v26 =	vadd.f32 v28, v30;
	v27 =	vld [tilespmem:s0+$0xFFFFFF80]  }
0x2a8: {  	v24 =	vsub.f32 v20, v24  }
0x2a9: {  	v21 =	vadd.f32 v22, v21;
	v20 =	vmax.f32 v26, $1.000000000e+00  }
0x2aa: {  	v20 =	vsub.f32 $1.000000000e+00, v20  }
0x2ab: {  	v21 =	vsub.f32 v25, v21  }
0x2ac: {  	v22 =	vadd.f32 v27, v23  }
0x2ad: {  	v23 =	vmul.f32 $5.000000000e-01, v24;
	v21 =	vmul.f32 $5.000000000e-01, v21  }
0x2ae: {  	v24 =	vshra.s32 v22, $0x17;
	v25 =	vshrl.u32 v22, $0xC;
	(erf) = vrcp.f32 v22  }
0x2af: {  	v21 =	vadd.f32 v21, v23;
	v23 =	vld [tilespmem:s0+$0xFFFFFFC0];
	v24 =	vadd.s32 $0xFFFFFF81, v24;
	v25 =	vand.u32 $0x7FF, v25  }
0x2b0: {  	v26 =	vld [tilespmem:s30+$0xFFFFFFC0];
	_ =	sdelay $0x3  }
0x2b1: {  	v27 =	vld [tilespmem:s0+$0x40]  }
0x2b2: {  	v23 =	vadd.f32 v23, v26;
	v26 =	vld [tilespmem:s30+$0x40]  }
0x2b3: {  	v28 =	vld [tilespmem:s0+$0x0]  }
0x2b4: {  	v29 =	vld [tilespmem:s30+$0x0];
	v30 =	vpop (erf)  }
0x2b5: {  	v23 =	vmul.f32 v23, v30;
	v25 =	vld.idx.msk [tilespmem:v25+s17+$0x0], $0xffff;
	_ =	sdelay $0x1  }
0x2b6: {  	v24 =	vcvt.s32.f32 v24;
	v26 =	vadd.f32 v27, v26;
	v27 =	vmul.f32 v23, v22;
	[tilespmem:s25+$0xFFFFFFF0] =	vst v23  }
0x2b7: {  	[tilespmem:s31+$0xFFFFFFF0] =	vst v22  }
0x2b8: {  	v24 =	vmul.f32 $6.931471820e-01, v24;
	v22 =	vadd.f32 v28, v29;
	v23 =	vmul.f32 v27, v23;
	v27 =	vld [tilespmem:s30+$0xFFFFFF90]  }
0x2b9: {  	v28 =	vld [tilespmem:s0+$0xFFFFFF90]  }
0x2ba: {  	v24 =	vadd.f32 v25, v24;
	v25 =	vld [tilespmem:s30+$0xFFFFFFD0]  }
0x2bb: {  	v29 =	vld [tilespmem:s0+$0xFFFFFFD0]  }
0x2bc: {  	v24 =	vsub.f32 v26, v24;
	v26 =	vld [tilespmem:s30+$0x10]  }
0x2bd: {  	v22 =	vsub.f32 v23, v22;
	v23 =	vld [tilespmem:s0+$0x10]  }
0x2be: {  	v24 =	vmul.f32 $5.000000000e-01, v24;
	v27 =	vadd.f32 v28, v27;
	v28 =	vld [tilespmem:s30+$0x50]  }
0x2bf: {  	v22 =	vmul.f32 $5.000000000e-01, v22;
	v30 =	vld [tilespmem:s0+$0x50]  }
0x2c0: {  	v31 =	vshra.s32 v27, $0x17;
	v32 =	vshrl.u32 v27, $0xC;
	(erf) = vrcp.f32 v27  }
0x2c1: {  	v25 =	vadd.f32 v29, v25;
	v29 =	vadd.s32 $0xFFFFFF81, v31;
	v31 =	vand.u32 $0x7FF, v32  }
0x2c2: {  	v22 =	vadd.f32 v24, v22;
	v23 =	vadd.f32 v23, v26;
	_ =	sdelay $0x1  }
0x2c3: {  	v24 =	vadd.f32 v30, v28;
	_ =	sdelay $0x1  }
0x2c4: {  	v26 =	vld.idx.msk [tilespmem:v31+s17+$0x0], $0xffff;
	_ =	sdelay $0x1  }
0x2c5: {  	v28 =	vcvt.s32.f32 v29  }
0x2c6: {  	v29 =	vpop (erf)  }
0x2c7: {  	v28 =	vmul.f32 $6.931471820e-01, v28;
	v25 =	vmul.f32 v25, v29;
	_ =	sdelay $0x1  }
0x2c8: {  	v26 =	vadd.f32 v26, v28;
	v29 =	vmul.f32 v25, v27;
	[tilespmem:s25+$0x0] =	vst v25  }
0x2c9: {  	[tilespmem:s31+$0x0] =	vst v27  }
0x2ca: {  	v24 =	vsub.f32 v24, v26;
	v25 =	vmul.f32 v29, v25;
	v26 =	vld [tilespmem:s30+$0xFFFFFFA0]  }
0x2cb: {  	v27 =	vld [tilespmem:s0+$0xFFFFFFA0]  }
0x2cc: {  	v23 =	vsub.f32 v25, v23;
	v25 =	vld [tilespmem:s30+$0xFFFFFFE0]  }
0x2cd: {  	v28 =	vld [tilespmem:s0+$0xFFFFFFE0]  }
0x2ce: {  	v24 =	vmul.f32 $5.000000000e-01, v24;
	v23 =	vmul.f32 $5.000000000e-01, v23;
	v29 =	vld [tilespmem:s30+$0x20]  }
0x2cf: {  	v30 =	vld [tilespmem:s0+$0x20]  }
0x2d0: {  	v23 =	vadd.f32 v24, v23;
	v24 =	vadd.f32 v27, v26;
	v26 =	vld [tilespmem:s30+$0x60]  }
0x2d1: {  	v27 =	vld [tilespmem:s0+$0x60]  }
0x2d2: {  	v31 =	vshra.s32 v24, $0x17;
	v32 =	vshrl.u32 v24, $0xC;
	(erf) = vrcp.f32 v24  }
0x2d3: {  	v25 =	vadd.f32 v28, v25;
	v28 =	vadd.s32 $0xFFFFFF81, v31;
	v31 =	vand.u32 $0x7FF, v32  }
0x2d4: {  	v29 =	vadd.f32 v30, v29;
	v28 =	vcvt.s32.f32 v28;
	_ =	sdelay $0x1  }
0x2d5: {  	v26 =	vadd.f32 v27, v26;
	_ =	sdelay $0x1  }
0x2d6: {  	v27 =	vld.idx.msk [tilespmem:v31+s17+$0x0], $0xffff;
	_ =	sdelay $0x2  }
0x2d7: {  	v28 =	vmul.f32 $6.931471820e-01, v28;
	v30 =	vpop (erf)  }
0x2d8: {  	v25 =	vmul.f32 v25, v30  }
0x2d9: {  	v20 =	vmul.f32 $5.881206510e+01, v20  }
0x2da: {  	v27 =	vadd.f32 v27, v28;
	v30 =	vmul.f32 v25, v24;
	[tilespmem:s25+$0x10] =	vst v25  }
0x2db: {  	v20 =	vadd.f32 v21, v20;
	[tilespmem:s31+$0x10] =	vst v24  }
0x2dc: {  	v24 =	vsub.f32 v26, v27;
	v21 =	vmul.f32 v30, v25  }
0x2dd: {  	v20 =	vadd.f32 v22, v20  }
0x2de: {  	v22 =	vmul.f32 $5.000000000e-01, v24;
	v21 =	vsub.f32 v21, v29  }
0x2df: {  	v20 =	vadd.f32 v23, v20  }
0x2e0: {  	v21 =	vmul.f32 $5.000000000e-01, v21;
	_ =	sdelay $0x1  }
0x2e1: {  	v21 =	vadd.f32 v22, v21;
	_ =	sdelay $0x1  }
0x2e2: {  	v20 =	vadd.f32 v21, v20;
	_ =	sdelay $0x1  }
0x2e3: {  	(xrf2) =	vadd.scan.msk.f32 $0xffff, v20;
	_ =	sdelay $0x5  }
.Ltmp6:
0x2e4: {  	(pc) =	sbr.rel @p1 .LBB2_10-.Ltmp6, $4  }
0x2e5: {  	s19 =	sand.u32 $0xF, s28  }
0x2e6: {  	v21 =	vmov s19  }
0x2e7: {  	s25 =	sadd.s32 $0x80, s25;
	s19 =	sand.u32 $0xC0, s2;
	vm0 =	veq.s32 v21, v1  }
0x2e8: {  	s30 =	sadd.s32 $0x110, s30;
	s31 =	sadd.s32 $0x80, s31;
	s19 =	sshrl.u32 s19, $0x2;
	v20, _, _ =	vpop (xrf2)  }
0x2e9: {  	v20 =	vbroadcast v20, $0xF;
	_ =	sdelay $0x1  }
0x2ea: {  	v19 =	vsel vm0, v20, v19  }
0x2eb: {  	s0 =	simm.s32 $0x19100;
	[tilespmem:s19+$0x1D100] =	vst v19  }
0x2ec: {  	[hbm4b:s12+s1] =	stream.linear.scatter [tilespmem:s0], [sflag:$0x3], $0x2000, $0x38;
	[tilespmem:$0x1F380] =	vst v63  }
0x2ed: {  	_ =	swait.ge [sflag:s18], $0x2000  }
0x2ee: {  	[sflag:s18] =	ssyncset.done $0x0  }
0x2ef: {  	s30 =	simm.s32 $0x1B100;
	[sflag:s18] =	ssyncadd.s32 $0xFFFFE000  }
0x2f0: {  	[hbm4b:s13+s1] =	stream.linear.scatter [tilespmem:s30], [sflag:$0x3], $0x2000, $0x38;
	[tilespmem:$0x1F380] =	vst v63  }
0x2f1: {  	_ =	swait.ge [sflag:s18], $0x2000  }
0x2f2: {  	[sflag:s18] =	ssyncset.done $0x0  }
.Ltmp7:
0x2f3: {  	s31 =	simm.s32 $0x1D100;
	[sflag:s18] =	ssyncadd.s32 $0xFFFFE000;
	(pc) =	sbr.rel .LBB2_12-.Ltmp7, $4  }
0x2f4: {  	[hbm4b:s14+s1] =	stream.linear.scatter [tilespmem:s31], [sflag:$0x3], $0x80, $0x38;
	[tilespmem:$0x1F380] =	vst v63  }
0x2f5: {  	_ =	swait.ge [sflag:s18], $0x80  }
0x2f6: {  	[sflag:s18] =	ssyncset.done $0x0  }
0x2f7: {  	[sflag:s18] =	ssyncadd.s32 $0xFFFFFF80  }
.LBB2_13:
0x2f8: {  	_ =	sfence.sel $0x180000  }
0x2f9: {  	[bflag:$0x0] =	sbarrier.arrive $0xFFFF  }
0x2fa: {  	_ =	strace $0x90000047  }
0x2fb: {  	s0 =	stileid.u32;
	[bflag:$0x2] =	sbarrier.arrive $0xFFFF  }
0x2fc: {  	p0 =	sne.s32 s0, $0x0;
	s0 =	rddreg [dreg:$0x6]  }
0x2fd: {  	s0 =	sadd.s32 @!p0 $0x100000, s0  }
0x2fe: {  	[sflag:s0] =	ssyncadd.tile.s32 @!p0 $0x1;
	_ =	shalt  }
.Lfunc_end2:
_tile_overlayer_lowered:
.L_overlay_start_2:
0x2ff: {  	(tag) =	ssettag $0x2  }
0x300: {  	s0 =	rddreg [dreg:$0x0];
	s2 =	stileid.u32  }
0x301: {  	s1 =	rddreg [dreg:$0x1];
	p0 =	sne.s32 s2, $0x0  }
0x302: {  	s3 =	rddreg [dreg:$0x2];
	[bflag:$0x3] =	sbarrier.arrive $0xFFFF;
	s2 =	simm.s32 @!p0 $0x1C03  }
0x303: {  	[timem:s3], [sflag:s2] =	dma.local @!p0 [hbm:s0], s1  }
0x304: {  	s0 =	simm.s32 @!p0 $0x3  }
0x305: {  	_ =	swait.ge @!p0 [sflag:s0], s1  }
0x306: {  	s1 =	ssub.s32 @!p0 $0x0, s1;
	[sflag:s0] =	ssyncset.done @!p0 $0x0  }
0x307: {  	[sflag:s0] =	ssyncadd.s32 @!p0 s1  }
0x308: {  	[bflag:$0x3] =	sbarrier.arrive $0xFFFF  }
0x309: {  	_ =	shalt  }

</sc_bundles>
